<compile_context>
chip_gen: v7x
topology: tpu7x:2x2x1
jax: 0.10.2.dev20260603
libtpu: 0.0.44.dev20260713+nightly
codegen_flags: <defaults>
</compile_context>

<pallas_src>
import functools

import jax
import jax.numpy as jnp
from jax import lax
from jax.experimental import pallas as pl
from jax.experimental.pallas import tpu as pltpu
from jax.experimental.pallas import tpu_sc as plsc

_NUM_CORES = 2
_NUM_SUBCORES = 16
_NW = _NUM_CORES * _NUM_SUBCORES

_CHUNK = 128
_NBUF = 4


_TCB = 16384


def _transpose_pack(t_t):
    d2, v = t_t.shape
    grid = (v + _TCB - 1) // _TCB

    def body(x_ref, o_ref):
        xt = x_ref[...].T.reshape(_TCB // 2, 2, d2)
        o_ref[:, 0:d2] = xt[:, 0, :]
        o_ref[:, d2:] = xt[:, 1, :]

    return pl.pallas_call(
        body,
        grid=(grid,),
        in_specs=[pl.BlockSpec((d2, _TCB), lambda i: (0, i))],
        out_specs=pl.BlockSpec((_TCB // 2, 2 * d2), lambda i: (i, 0)),
        out_shape=jax.ShapeDtypeStruct((v // 2, 2 * d2), jnp.float32),
    )(t_t)


@functools.partial(jax.jit, static_argnums=(2, 3))
def _embedding_lookup(idx, table, n_chunks, d):
    assert n_chunks % _NBUF == 0
    mesh = plsc.VectorSubcoreMesh(core_axis_name="c", subcore_axis_name="s")
    per_w = n_chunks * _CHUNK
    total = _NW * per_w

    @functools.partial(
        pl.kernel,
        out_type=jax.ShapeDtypeStruct((2 * total, d), jnp.float32),
        mesh=mesh,
        compiler_params=pltpu.CompilerParams(use_tc_tiling_on_sc=False),
        scratch_types=[
            pltpu.VMEM((n_chunks, _CHUNK), jnp.int32),
            pltpu.VMEM((_NBUF, _CHUNK), jnp.int32),
            pltpu.VMEM((_NBUF, _CHUNK, 64), jnp.float32),
            [pltpu.SemaphoreType.DMA] * _NBUF,
            [pltpu.SemaphoreType.DMA] * _NBUF,
        ],
    )
    def emb(idx_hbm, tab_hbm, out_hbm, idx_v, dst_v, rows_v, gsems, wsems):
        wid = lax.axis_index("s") * _NUM_CORES + lax.axis_index("c")
        base = wid * per_w
        pltpu.sync_copy(idx_hbm.at[wid], idx_v)
        iot = lax.iota(jnp.int32, 16)

        def prep(j, slot):
            qbase = 2 * (base + j * _CHUNK)
            for t in range(_CHUNK // 16):
                dst_v[slot, pl.ds(16 * t, 16)] = qbase + 2 * (16 * t + iot)

        def gather_start(j, slot):
            pltpu.async_copy(tab_hbm.at[idx_v.at[j]], rows_v.at[slot], gsems[slot])

        def gather_wait(j, slot):
            pltpu.make_async_copy(
                tab_hbm.at[idx_v.at[j]], rows_v.at[slot], gsems[slot]
            ).wait()

        def scatter_start(slot):
            pltpu.async_copy(
                rows_v.at[slot], out_hbm.at[dst_v.at[slot]], wsems[slot]
            )

        def scatter_wait(slot):
            pltpu.make_async_copy(
                rows_v.at[slot], out_hbm.at[dst_v.at[slot]], wsems[slot]
            ).wait()

        for b in range(_NBUF - 1):
            prep(b, b)
            gather_start(b, b)

        def group(g, _):
            j0 = g * _NBUF
            for b in range(_NBUF):
                j = j0 + b
                ahead = j + _NBUF - 1
                prev_slot = (b - 1) % _NBUF

                @pl.when(j > 0)
                def _():
                    scatter_wait(prev_slot)

                @pl.when(ahead < n_chunks)
                def _():
                    prep(ahead, prev_slot)
                    gather_start(ahead, prev_slot)

                gather_wait(j, b)
                scatter_start(b)
            return 0

        lax.fori_loop(0, n_chunks // _NBUF, group, 0, unroll=False)
        scatter_wait(_NBUF - 1)

    return emb(idx, table)


def kernel(x, table):
    b, s = x.shape
    v, d = table.shape
    total = b * s
    per_w = total // _NW
    n_chunks = per_w // _CHUNK
    idx = x.reshape(_NW, n_chunks, _CHUNK)
    table_lin = _transpose_pack(table.T).reshape(v, d)
    out2 = _embedding_lookup(idx, table_lin, n_chunks, d)
    return out2.reshape(total, 2 * d)[:, :d].reshape(b, s, d)

# --- scband reference (transcript-rebuilt; emitter-appended) ---
"""Pipeline reference for scband-token-embedding-layer-47227460386849 (READ-ONLY COPY).

The authoritative reference and input builder live on the scoring server;
editing this copy changes nothing except your own understanding.
"""

import jax, jax.numpy as jnp
import numpy as np

VOCAB = 1000000
EMBED = 64
BATCH = 4096
SEQ = 200

def setup_inputs(seed: int = 0) -> dict:
    key = jax.random.key(seed)
    k_idx, k_tab = jax.random.split(key)
    x = jax.random.randint(k_idx, (BATCH, SEQ), 0, VOCAB, dtype=jnp.int64 if jax.config.read('jax_enable_x64') else jnp.int32)
    table = jax.random.normal(k_tab, (VOCAB, EMBED), dtype=jnp.float32)
    return {"x": x, "table": table}

def reference(x, table):
    # Faithful translation of nn.Embedding forward: gather rows of the table.
    out = jnp.take(table, x, axis=0)
    return out

if __name__ == "__main__":
    import jax
    _d = setup_inputs()
    print(jax.jit(kernel)(*tuple(_d.values())))

</pallas_src>

<mosaic_0001>
#map = affine_map<(d0, d1) -> (0, 0, 0)>
#map1 = affine_map<(d0, d1) -> (0, 0)>
module attributes {stable_mosaic.version = 14 : i64} {
  func.func @emb(%arg0: i32, %arg1: i32, %arg2: memref<32x200x128xi32, #tpu.memory_space<hbm>>, %arg3: memref<1000000x64xf32, #tpu.memory_space<hbm>>, %arg4: memref<1638400x64xf32, #tpu.memory_space<hbm>>, %arg5: memref<200x128xi32, #tpu.memory_space<vmem>>, %arg6: memref<4x128xi32, #tpu.memory_space<vmem>>, %arg7: memref<4x128x64xf32, #tpu.memory_space<vmem>>, %arg8: memref<!tpu.dma_semaphore, #tpu.memory_space<semaphore_mem>>, %arg9: memref<!tpu.dma_semaphore, #tpu.memory_space<semaphore_mem>>, %arg10: memref<!tpu.dma_semaphore, #tpu.memory_space<semaphore_mem>>, %arg11: memref<!tpu.dma_semaphore, #tpu.memory_space<semaphore_mem>>, %arg12: memref<!tpu.dma_semaphore, #tpu.memory_space<semaphore_mem>>, %arg13: memref<!tpu.dma_semaphore, #tpu.memory_space<semaphore_mem>>, %arg14: memref<!tpu.dma_semaphore, #tpu.memory_space<semaphore_mem>>, %arg15: memref<!tpu.dma_semaphore, #tpu.memory_space<semaphore_mem>>) attributes {dimension_semantics = [#tpu.dimension_semantics<core_parallel>, #tpu.dimension_semantics<subcore_parallel>], iteration_bounds = array<i64: 2, 16>, scalar_prefetch = 0 : i64, scratch_operands = 11 : i64, tpu.core_type = #tpu.core_type<sc_vector_subcore>, window_params = [{transform_indices = #map}, {transform_indices = #map1}, {transform_indices = #map1}]} {
    %mul3A = arith.constant 2 : i32
    %mul3A_0 = arith.muli %arg1, %mul3A : i32
    %add3A = arith.addi %mul3A_0, %arg0 : i32
    %mul3A_1 = arith.constant 25600 : i32
    %mul3A_2 = arith.muli %add3A, %mul3A_1 : i32
    "tpu.region"() ({
      %run_scoped3A = tpu.sem_alloc : memref<!tpu.dma_semaphore, #tpu.memory_space<semaphore_mem>>
      %dma_start3A_402 = arith.constant 0 : i32
      %dma_start3A_403 = arith.constant 0 : i32
      %dma_start3A_404 = tpu.memref_slice %arg2[%add3A, %dma_start3A_402, %dma_start3A_403] : memref<32x200x128xi32, #tpu.memory_space<hbm>> -> memref<1x200x128xi32, #tpu.memory_space<hbm>>
      %dma_start3A_405 = tpu.memref_squeeze %dma_start3A_404 : memref<1x200x128xi32, #tpu.memory_space<hbm>> -> memref<200x128xi32, #tpu.memory_space<hbm>>
      %dma_start3A_406 = arith.constant 0 : i32
      %dma_start3A_407 = arith.constant 0 : i32
      %dma_start3A_408 = tpu.memref_slice %arg2[%add3A, %dma_start3A_406, %dma_start3A_407] : memref<32x200x128xi32, #tpu.memory_space<hbm>> -> memref<1x200x128xi32, #tpu.memory_space<hbm>>
      %dma_start3A_409 = tpu.memref_squeeze %dma_start3A_408 : memref<1x200x128xi32, #tpu.memory_space<hbm>> -> memref<200x128xi32, #tpu.memory_space<hbm>>
      tpu.enqueue_dma source(%dma_start3A_409 : memref<200x128xi32, #tpu.memory_space<hbm>>) target(%arg5 : memref<200x128xi32, #tpu.memory_space<vmem>>) target_semaphore(%run_scoped3A : memref<!tpu.dma_semaphore, #tpu.memory_space<semaphore_mem>>)
      %dma_wait3A_410 = arith.constant 0 : i32
      %dma_wait3A_411 = arith.constant 0 : i32
      %dma_wait3A_412 = tpu.memref_slice %arg2[%add3A, %dma_wait3A_410, %dma_wait3A_411] : memref<32x200x128xi32, #tpu.memory_space<hbm>> -> memref<1x200x128xi32, #tpu.memory_space<hbm>>
      %dma_wait3A_413 = tpu.memref_squeeze %dma_wait3A_412 : memref<1x200x128xi32, #tpu.memory_space<hbm>> -> memref<200x128xi32, #tpu.memory_space<hbm>>
      %dma_wait3A_414 = arith.constant 0 : i32
      %dma_wait3A_415 = arith.constant 0 : i32
      %dma_wait3A_416 = tpu.memref_slice %arg2[%add3A, %dma_wait3A_414, %dma_wait3A_415] : memref<32x200x128xi32, #tpu.memory_space<hbm>> -> memref<1x200x128xi32, #tpu.memory_space<hbm>>
      %dma_wait3A_417 = tpu.memref_squeeze %dma_wait3A_416 : memref<1x200x128xi32, #tpu.memory_space<hbm>> -> memref<200x128xi32, #tpu.memory_space<hbm>>
      tpu.wait_dma2 semaphore(%run_scoped3A : memref<!tpu.dma_semaphore, #tpu.memory_space<semaphore_mem>>) src(%dma_wait3A_417 : memref<200x128xi32, #tpu.memory_space<hbm>>) dst(%arg5 : memref<200x128xi32, #tpu.memory_space<vmem>>)
      tpu.yield
    }) : () -> ()
    %iota3A = tpu.iota {dimensions = array<i32: 0>} : vector<16xi32>
    %add3A_3 = arith.constant 0 : i32
    %add3A_4 = arith.addi %mul3A_2, %add3A_3 : i32
    %mul3A_5 = arith.constant 2 : i32
    %mul3A_6 = arith.muli %mul3A_5, %add3A_4 : i32
    %add3A_7 = arith.constant 0 : i32
    %add3A_8 = vector.broadcast %add3A_7 : i32 to vector<16xi32>
    %add3A_9 = arith.addi %add3A_8, %iota3A : vector<16xi32>
    %mul3A_10 = arith.constant 2 : i32
    %mul3A_11 = vector.broadcast %mul3A_10 : i32 to vector<16xi32>
    %mul3A_12 = arith.muli %mul3A_11, %add3A_9 : vector<16xi32>
    %add3A_13 = vector.broadcast %mul3A_6 : i32 to vector<16xi32>
    %add3A_14 = arith.addi %add3A_13, %mul3A_12 : vector<16xi32>
    %swap3A = arith.constant 0 : i32
    %swap3A_15 = arith.index_cast %swap3A : i32 to index
    %swap3A_16 = arith.constant 0 : index
    %swap3A_17 = tpu.vector_load %arg6[%swap3A_15, %swap3A_16] {strides = array<i32>} : memref<4x128xi32, #tpu.memory_space<vmem>>, vector<1x16xi32>,
    %swap3A_18 = vector.shape_cast %swap3A_17 : vector<1x16xi32> to vector<16xi32>
    %swap3A_19 = vector.shape_cast %add3A_14 : vector<16xi32> to vector<1x16xi32>
    tpu.vector_store %arg6[%swap3A_15, %swap3A_16], %swap3A_19 {strides = array<i32>} : memref<4x128xi32, #tpu.memory_space<vmem>>, vector<1x16xi32>,
    %add3A_20 = arith.constant 16 : i32
    %add3A_21 = vector.broadcast %add3A_20 : i32 to vector<16xi32>
    %add3A_22 = arith.addi %add3A_21, %iota3A : vector<16xi32>
    %mul3A_23 = arith.constant 2 : i32
    %mul3A_24 = vector.broadcast %mul3A_23 : i32 to vector<16xi32>
    %mul3A_25 = arith.muli %mul3A_24, %add3A_22 : vector<16xi32>
    %add3A_26 = vector.broadcast %mul3A_6 : i32 to vector<16xi32>
    %add3A_27 = arith.addi %add3A_26, %mul3A_25 : vector<16xi32>
    %swap3A_28 = arith.constant 0 : i32
    %swap3A_29 = arith.index_cast %swap3A_28 : i32 to index
    %swap3A_30 = arith.constant 16 : index
    %swap3A_31 = tpu.vector_load %arg6[%swap3A_29, %swap3A_30] {strides = array<i32>} : memref<4x128xi32, #tpu.memory_space<vmem>>, vector<1x16xi32>,
    %swap3A_32 = vector.shape_cast %swap3A_31 : vector<1x16xi32> to vector<16xi32>
    %swap3A_33 = vector.shape_cast %add3A_27 : vector<16xi32> to vector<1x16xi32>
    tpu.vector_store %arg6[%swap3A_29, %swap3A_30], %swap3A_33 {strides = array<i32>} : memref<4x128xi32, #tpu.memory_space<vmem>>, vector<1x16xi32>,
    %add3A_34 = arith.constant 32 : i32
    %add3A_35 = vector.broadcast %add3A_34 : i32 to vector<16xi32>
    %add3A_36 = arith.addi %add3A_35, %iota3A : vector<16xi32>
    %mul3A_37 = arith.constant 2 : i32
    %mul3A_38 = vector.broadcast %mul3A_37 : i32 to vector<16xi32>
    %mul3A_39 = arith.muli %mul3A_38, %add3A_36 : vector<16xi32>
    %add3A_40 = vector.broadcast %mul3A_6 : i32 to vector<16xi32>
    %add3A_41 = arith.addi %add3A_40, %mul3A_39 : vector<16xi32>
    %swap3A_42 = arith.constant 0 : i32
    %swap3A_43 = arith.index_cast %swap3A_42 : i32 to index
    %swap3A_44 = arith.constant 32 : index
    %swap3A_45 = tpu.vector_load %arg6[%swap3A_43, %swap3A_44] {strides = array<i32>} : memref<4x128xi32, #tpu.memory_space<vmem>>, vector<1x16xi32>,
    %swap3A_46 = vector.shape_cast %swap3A_45 : vector<1x16xi32> to vector<16xi32>
    %swap3A_47 = vector.shape_cast %add3A_41 : vector<16xi32> to vector<1x16xi32>
    tpu.vector_store %arg6[%swap3A_43, %swap3A_44], %swap3A_47 {strides = array<i32>} : memref<4x128xi32, #tpu.memory_space<vmem>>, vector<1x16xi32>,
    %add3A_48 = arith.constant 48 : i32
    %add3A_49 = vector.broadcast %add3A_48 : i32 to vector<16xi32>
    %add3A_50 = arith.addi %add3A_49, %iota3A : vector<16xi32>
    %mul3A_51 = arith.constant 2 : i32
    %mul3A_52 = vector.broadcast %mul3A_51 : i32 to vector<16xi32>
    %mul3A_53 = arith.muli %mul3A_52, %add3A_50 : vector<16xi32>
    %add3A_54 = vector.broadcast %mul3A_6 : i32 to vector<16xi32>
    %add3A_55 = arith.addi %add3A_54, %mul3A_53 : vector<16xi32>
    %swap3A_56 = arith.constant 0 : i32
    %swap3A_57 = arith.index_cast %swap3A_56 : i32 to index
    %swap3A_58 = arith.constant 48 : index
    %swap3A_59 = tpu.vector_load %arg6[%swap3A_57, %swap3A_58] {strides = array<i32>} : memref<4x128xi32, #tpu.memory_space<vmem>>, vector<1x16xi32>,
    %swap3A_60 = vector.shape_cast %swap3A_59 : vector<1x16xi32> to vector<16xi32>
    %swap3A_61 = vector.shape_cast %add3A_55 : vector<16xi32> to vector<1x16xi32>
    tpu.vector_store %arg6[%swap3A_57, %swap3A_58], %swap3A_61 {strides = array<i32>} : memref<4x128xi32, #tpu.memory_space<vmem>>, vector<1x16xi32>,
    %add3A_62 = arith.constant 64 : i32
    %add3A_63 = vector.broadcast %add3A_62 : i32 to vector<16xi32>
    %add3A_64 = arith.addi %add3A_63, %iota3A : vector<16xi32>
    %mul3A_65 = arith.constant 2 : i32
    %mul3A_66 = vector.broadcast %mul3A_65 : i32 to vector<16xi32>
    %mul3A_67 = arith.muli %mul3A_66, %add3A_64 : vector<16xi32>
    %add3A_68 = vector.broadcast %mul3A_6 : i32 to vector<16xi32>
    %add3A_69 = arith.addi %add3A_68, %mul3A_67 : vector<16xi32>
    %swap3A_70 = arith.constant 0 : i32
    %swap3A_71 = arith.index_cast %swap3A_70 : i32 to index
    %swap3A_72 = arith.constant 64 : index
    %swap3A_73 = tpu.vector_load %arg6[%swap3A_71, %swap3A_72] {strides = array<i32>} : memref<4x128xi32, #tpu.memory_space<vmem>>, vector<1x16xi32>,
    %swap3A_74 = vector.shape_cast %swap3A_73 : vector<1x16xi32> to vector<16xi32>
    %swap3A_75 = vector.shape_cast %add3A_69 : vector<16xi32> to vector<1x16xi32>
    tpu.vector_store %arg6[%swap3A_71, %swap3A_72], %swap3A_75 {strides = array<i32>} : memref<4x128xi32, #tpu.memory_space<vmem>>, vector<1x16xi32>,
    %add3A_76 = arith.constant 80 : i32
    %add3A_77 = vector.broadcast %add3A_76 : i32 to vector<16xi32>
    %add3A_78 = arith.addi %add3A_77, %iota3A : vector<16xi32>
    %mul3A_79 = arith.constant 2 : i32
    %mul3A_80 = vector.broadcast %mul3A_79 : i32 to vector<16xi32>
    %mul3A_81 = arith.muli %mul3A_80, %add3A_78 : vector<16xi32>
    %add3A_82 = vector.broadcast %mul3A_6 : i32 to vector<16xi32>
    %add3A_83 = arith.addi %add3A_82, %mul3A_81 : vector<16xi32>
    %swap3A_84 = arith.constant 0 : i32
    %swap3A_85 = arith.index_cast %swap3A_84 : i32 to index
    %swap3A_86 = arith.constant 80 : index
    %swap3A_87 = tpu.vector_load %arg6[%swap3A_85, %swap3A_86] {strides = array<i32>} : memref<4x128xi32, #tpu.memory_space<vmem>>, vector<1x16xi32>,
    %swap3A_88 = vector.shape_cast %swap3A_87 : vector<1x16xi32> to vector<16xi32>
    %swap3A_89 = vector.shape_cast %add3A_83 : vector<16xi32> to vector<1x16xi32>
    tpu.vector_store %arg6[%swap3A_85, %swap3A_86], %swap3A_89 {strides = array<i32>} : memref<4x128xi32, #tpu.memory_space<vmem>>, vector<1x16xi32>,
    %add3A_90 = arith.constant 96 : i32
    %add3A_91 = vector.broadcast %add3A_90 : i32 to vector<16xi32>
    %add3A_92 = arith.addi %add3A_91, %iota3A : vector<16xi32>
    %mul3A_93 = arith.constant 2 : i32
    %mul3A_94 = vector.broadcast %mul3A_93 : i32 to vector<16xi32>
    %mul3A_95 = arith.muli %mul3A_94, %add3A_92 : vector<16xi32>
    %add3A_96 = vector.broadcast %mul3A_6 : i32 to vector<16xi32>
    %add3A_97 = arith.addi %add3A_96, %mul3A_95 : vector<16xi32>
    %swap3A_98 = arith.constant 0 : i32
    %swap3A_99 = arith.index_cast %swap3A_98 : i32 to index
    %swap3A_100 = arith.constant 96 : index
    %swap3A_101 = tpu.vector_load %arg6[%swap3A_99, %swap3A_100] {strides = array<i32>} : memref<4x128xi32, #tpu.memory_space<vmem>>, vector<1x16xi32>,
    %swap3A_102 = vector.shape_cast %swap3A_101 : vector<1x16xi32> to vector<16xi32>
    %swap3A_103 = vector.shape_cast %add3A_97 : vector<16xi32> to vector<1x16xi32>
    tpu.vector_store %arg6[%swap3A_99, %swap3A_100], %swap3A_103 {strides = array<i32>} : memref<4x128xi32, #tpu.memory_space<vmem>>, vector<1x16xi32>,
    %add3A_104 = arith.constant 112 : i32
    %add3A_105 = vector.broadcast %add3A_104 : i32 to vector<16xi32>
    %add3A_106 = arith.addi %add3A_105, %iota3A : vector<16xi32>
    %mul3A_107 = arith.constant 2 : i32
    %mul3A_108 = vector.broadcast %mul3A_107 : i32 to vector<16xi32>
    %mul3A_109 = arith.muli %mul3A_108, %add3A_106 : vector<16xi32>
    %add3A_110 = vector.broadcast %mul3A_6 : i32 to vector<16xi32>
    %add3A_111 = arith.addi %add3A_110, %mul3A_109 : vector<16xi32>
    %swap3A_112 = arith.constant 0 : i32
    %swap3A_113 = arith.index_cast %swap3A_112 : i32 to index
    %swap3A_114 = arith.constant 112 : index
    %swap3A_115 = tpu.vector_load %arg6[%swap3A_113, %swap3A_114] {strides = array<i32>} : memref<4x128xi32, #tpu.memory_space<vmem>>, vector<1x16xi32>,
    %swap3A_116 = vector.shape_cast %swap3A_115 : vector<1x16xi32> to vector<16xi32>
    %swap3A_117 = vector.shape_cast %add3A_111 : vector<16xi32> to vector<1x16xi32>
    tpu.vector_store %arg6[%swap3A_113, %swap3A_114], %swap3A_117 {strides = array<i32>} : memref<4x128xi32, #tpu.memory_space<vmem>>, vector<1x16xi32>,
    %dma_start3A = arith.constant 0 : i32
    %dma_start3A_118 = arith.constant 0 : i32
    %dma_start3A_119 = arith.constant 0 : i32
    %dma_start3A_120 = arith.constant 0 : i32
    %dma_start3A_121 = tpu.memref_slice %arg7[%dma_start3A_118, %dma_start3A_119, %dma_start3A_120] : memref<4x128x64xf32, #tpu.memory_space<vmem>> -> memref<1x128x64xf32, #tpu.memory_space<vmem>>
    %dma_start3A_122 = tpu.memref_squeeze %dma_start3A_121 : memref<1x128x64xf32, #tpu.memory_space<vmem>> -> memref<128x64xf32, #tpu.memory_space<vmem>>
    %dma_start3A_123 = arith.constant 0 : i32
    %dma_start3A_124 = tpu.memref_slice %arg5[%dma_start3A, %dma_start3A_123] : memref<200x128xi32, #tpu.memory_space<vmem>> -> memref<1x128xi32, #tpu.memory_space<vmem>>
    %dma_start3A_125 = tpu.memref_squeeze %dma_start3A_124 : memref<1x128xi32, #tpu.memory_space<vmem>> -> memref<128xi32, #tpu.memory_space<vmem>>
    %dma_start3A_126 = arith.constant 0 : i32
    %dma_start3A_127 = arith.constant 0 : i32
    %dma_start3A_128 = tpu.memref_slice %arg3[%dma_start3A_126, %dma_start3A_127] : memref<1000000x64xf32, #tpu.memory_space<hbm>> -> memref<1000000x64xf32, #tpu.memory_space<hbm>>
    tpu.enqueue_indirect_dma source(%dma_start3A_128 : memref<1000000x64xf32, #tpu.memory_space<hbm>>) target(%dma_start3A_122 : memref<128x64xf32, #tpu.memory_space<vmem>>) offsets(%dma_start3A_125 : memref<128xi32, #tpu.memory_space<vmem>>) semaphore(%arg8 : memref<!tpu.dma_semaphore, #tpu.memory_space<semaphore_mem>>)
    %add3A_129 = arith.constant 128 : i32
    %add3A_130 = arith.addi %mul3A_2, %add3A_129 : i32
    %mul3A_131 = arith.constant 2 : i32
    %mul3A_132 = arith.muli %mul3A_131, %add3A_130 : i32
    %add3A_133 = arith.constant 0 : i32
    %add3A_134 = vector.broadcast %add3A_133 : i32 to vector<16xi32>
    %add3A_135 = arith.addi %add3A_134, %iota3A : vector<16xi32>
    %mul3A_136 = arith.constant 2 : i32
    %mul3A_137 = vector.broadcast %mul3A_136 : i32 to vector<16xi32>
    %mul3A_138 = arith.muli %mul3A_137, %add3A_135 : vector<16xi32>
    %add3A_139 = vector.broadcast %mul3A_132 : i32 to vector<16xi32>
    %add3A_140 = arith.addi %add3A_139, %mul3A_138 : vector<16xi32>
    %swap3A_141 = arith.constant 1 : i32
    %swap3A_142 = arith.index_cast %swap3A_141 : i32 to index
    %swap3A_143 = arith.constant 0 : index
    %swap3A_144 = tpu.vector_load %arg6[%swap3A_142, %swap3A_143] {strides = array<i32>} : memref<4x128xi32, #tpu.memory_space<vmem>>, vector<1x16xi32>,
    %swap3A_145 = vector.shape_cast %swap3A_144 : vector<1x16xi32> to vector<16xi32>
    %swap3A_146 = vector.shape_cast %add3A_140 : vector<16xi32> to vector<1x16xi32>
    tpu.vector_store %arg6[%swap3A_142, %swap3A_143], %swap3A_146 {strides = array<i32>} : memref<4x128xi32, #tpu.memory_space<vmem>>, vector<1x16xi32>,
    %add3A_147 = arith.constant 16 : i32
    %add3A_148 = vector.broadcast %add3A_147 : i32 to vector<16xi32>
    %add3A_149 = arith.addi %add3A_148, %iota3A : vector<16xi32>
    %mul3A_150 = arith.constant 2 : i32
    %mul3A_151 = vector.broadcast %mul3A_150 : i32 to vector<16xi32>
    %mul3A_152 = arith.muli %mul3A_151, %add3A_149 : vector<16xi32>
    %add3A_153 = vector.broadcast %mul3A_132 : i32 to vector<16xi32>
    %add3A_154 = arith.addi %add3A_153, %mul3A_152 : vector<16xi32>
    %swap3A_155 = arith.constant 1 : i32
    %swap3A_156 = arith.index_cast %swap3A_155 : i32 to index
    %swap3A_157 = arith.constant 16 : index
    %swap3A_158 = tpu.vector_load %arg6[%swap3A_156, %swap3A_157] {strides = array<i32>} : memref<4x128xi32, #tpu.memory_space<vmem>>, vector<1x16xi32>,
    %swap3A_159 = vector.shape_cast %swap3A_158 : vector<1x16xi32> to vector<16xi32>
    %swap3A_160 = vector.shape_cast %add3A_154 : vector<16xi32> to vector<1x16xi32>
    tpu.vector_store %arg6[%swap3A_156, %swap3A_157], %swap3A_160 {strides = array<i32>} : memref<4x128xi32, #tpu.memory_space<vmem>>, vector<1x16xi32>,
    %add3A_161 = arith.constant 32 : i32
    %add3A_162 = vector.broadcast %add3A_161 : i32 to vector<16xi32>
    %add3A_163 = arith.addi %add3A_162, %iota3A : vector<16xi32>
    %mul3A_164 = arith.constant 2 : i32
    %mul3A_165 = vector.broadcast %mul3A_164 : i32 to vector<16xi32>
    %mul3A_166 = arith.muli %mul3A_165, %add3A_163 : vector<16xi32>
    %add3A_167 = vector.broadcast %mul3A_132 : i32 to vector<16xi32>
    %add3A_168 = arith.addi %add3A_167, %mul3A_166 : vector<16xi32>
    %swap3A_169 = arith.constant 1 : i32
    %swap3A_170 = arith.index_cast %swap3A_169 : i32 to index
    %swap3A_171 = arith.constant 32 : index
    %swap3A_172 = tpu.vector_load %arg6[%swap3A_170, %swap3A_171] {strides = array<i32>} : memref<4x128xi32, #tpu.memory_space<vmem>>, vector<1x16xi32>,
    %swap3A_173 = vector.shape_cast %swap3A_172 : vector<1x16xi32> to vector<16xi32>
    %swap3A_174 = vector.shape_cast %add3A_168 : vector<16xi32> to vector<1x16xi32>
    tpu.vector_store %arg6[%swap3A_170, %swap3A_171], %swap3A_174 {strides = array<i32>} : memref<4x128xi32, #tpu.memory_space<vmem>>, vector<1x16xi32>,
    %add3A_175 = arith.constant 48 : i32
    %add3A_176 = vector.broadcast %add3A_175 : i32 to vector<16xi32>
    %add3A_177 = arith.addi %add3A_176, %iota3A : vector<16xi32>
    %mul3A_178 = arith.constant 2 : i32
    %mul3A_179 = vector.broadcast %mul3A_178 : i32 to vector<16xi32>
    %mul3A_180 = arith.muli %mul3A_179, %add3A_177 : vector<16xi32>
    %add3A_181 = vector.broadcast %mul3A_132 : i32 to vector<16xi32>
    %add3A_182 = arith.addi %add3A_181, %mul3A_180 : vector<16xi32>
    %swap3A_183 = arith.constant 1 : i32
    %swap3A_184 = arith.index_cast %swap3A_183 : i32 to index
    %swap3A_185 = arith.constant 48 : index
    %swap3A_186 = tpu.vector_load %arg6[%swap3A_184, %swap3A_185] {strides = array<i32>} : memref<4x128xi32, #tpu.memory_space<vmem>>, vector<1x16xi32>,
    %swap3A_187 = vector.shape_cast %swap3A_186 : vector<1x16xi32> to vector<16xi32>
    %swap3A_188 = vector.shape_cast %add3A_182 : vector<16xi32> to vector<1x16xi32>
    tpu.vector_store %arg6[%swap3A_184, %swap3A_185], %swap3A_188 {strides = array<i32>} : memref<4x128xi32, #tpu.memory_space<vmem>>, vector<1x16xi32>,
    %add3A_189 = arith.constant 64 : i32
    %add3A_190 = vector.broadcast %add3A_189 : i32 to vector<16xi32>
    %add3A_191 = arith.addi %add3A_190, %iota3A : vector<16xi32>
    %mul3A_192 = arith.constant 2 : i32
    %mul3A_193 = vector.broadcast %mul3A_192 : i32 to vector<16xi32>
    %mul3A_194 = arith.muli %mul3A_193, %add3A_191 : vector<16xi32>
    %add3A_195 = vector.broadcast %mul3A_132 : i32 to vector<16xi32>
    %add3A_196 = arith.addi %add3A_195, %mul3A_194 : vector<16xi32>
    %swap3A_197 = arith.constant 1 : i32
    %swap3A_198 = arith.index_cast %swap3A_197 : i32 to index
    %swap3A_199 = arith.constant 64 : index
    %swap3A_200 = tpu.vector_load %arg6[%swap3A_198, %swap3A_199] {strides = array<i32>} : memref<4x128xi32, #tpu.memory_space<vmem>>, vector<1x16xi32>,
    %swap3A_201 = vector.shape_cast %swap3A_200 : vector<1x16xi32> to vector<16xi32>
    %swap3A_202 = vector.shape_cast %add3A_196 : vector<16xi32> to vector<1x16xi32>
    tpu.vector_store %arg6[%swap3A_198, %swap3A_199], %swap3A_202 {strides = array<i32>} : memref<4x128xi32, #tpu.memory_space<vmem>>, vector<1x16xi32>,
    %add3A_203 = arith.constant 80 : i32
    %add3A_204 = vector.broadcast %add3A_203 : i32 to vector<16xi32>
    %add3A_205 = arith.addi %add3A_204, %iota3A : vector<16xi32>
    %mul3A_206 = arith.constant 2 : i32
    %mul3A_207 = vector.broadcast %mul3A_206 : i32 to vector<16xi32>
    %mul3A_208 = arith.muli %mul3A_207, %add3A_205 : vector<16xi32>
    %add3A_209 = vector.broadcast %mul3A_132 : i32 to vector<16xi32>
    %add3A_210 = arith.addi %add3A_209, %mul3A_208 : vector<16xi32>
    %swap3A_211 = arith.constant 1 : i32
    %swap3A_212 = arith.index_cast %swap3A_211 : i32 to index
    %swap3A_213 = arith.constant 80 : index
    %swap3A_214 = tpu.vector_load %arg6[%swap3A_212, %swap3A_213] {strides = array<i32>} : memref<4x128xi32, #tpu.memory_space<vmem>>, vector<1x16xi32>,
    %swap3A_215 = vector.shape_cast %swap3A_214 : vector<1x16xi32> to vector<16xi32>
    %swap3A_216 = vector.shape_cast %add3A_210 : vector<16xi32> to vector<1x16xi32>
    tpu.vector_store %arg6[%swap3A_212, %swap3A_213], %swap3A_216 {strides = array<i32>} : memref<4x128xi32, #tpu.memory_space<vmem>>, vector<1x16xi32>,
    %add3A_217 = arith.constant 96 : i32
    %add3A_218 = vector.broadcast %add3A_217 : i32 to vector<16xi32>
    %add3A_219 = arith.addi %add3A_218, %iota3A : vector<16xi32>
    %mul3A_220 = arith.constant 2 : i32
    %mul3A_221 = vector.broadcast %mul3A_220 : i32 to vector<16xi32>
    %mul3A_222 = arith.muli %mul3A_221, %add3A_219 : vector<16xi32>
    %add3A_223 = vector.broadcast %mul3A_132 : i32 to vector<16xi32>
    %add3A_224 = arith.addi %add3A_223, %mul3A_222 : vector<16xi32>
    %swap3A_225 = arith.constant 1 : i32
    %swap3A_226 = arith.index_cast %swap3A_225 : i32 to index
    %swap3A_227 = arith.constant 96 : index
    %swap3A_228 = tpu.vector_load %arg6[%swap3A_226, %swap3A_227] {strides = array<i32>} : memref<4x128xi32, #tpu.memory_space<vmem>>, vector<1x16xi32>,
    %swap3A_229 = vector.shape_cast %swap3A_228 : vector<1x16xi32> to vector<16xi32>
    %swap3A_230 = vector.shape_cast %add3A_224 : vector<16xi32> to vector<1x16xi32>
    tpu.vector_store %arg6[%swap3A_226, %swap3A_227], %swap3A_230 {strides = array<i32>} : memref<4x128xi32, #tpu.memory_space<vmem>>, vector<1x16xi32>,
    %add3A_231 = arith.constant 112 : i32
    %add3A_232 = vector.broadcast %add3A_231 : i32 to vector<16xi32>
    %add3A_233 = arith.addi %add3A_232, %iota3A : vector<16xi32>
    %mul3A_234 = arith.constant 2 : i32
    %mul3A_235 = vector.broadcast %mul3A_234 : i32 to vector<16xi32>
    %mul3A_236 = arith.muli %mul3A_235, %add3A_233 : vector<16xi32>
    %add3A_237 = vector.broadcast %mul3A_132 : i32 to vector<16xi32>
    %add3A_238 = arith.addi %add3A_237, %mul3A_236 : vector<16xi32>
    %swap3A_239 = arith.constant 1 : i32
    %swap3A_240 = arith.index_cast %swap3A_239 : i32 to index
    %swap3A_241 = arith.constant 112 : index
    %swap3A_242 = tpu.vector_load %arg6[%swap3A_240, %swap3A_241] {strides = array<i32>} : memref<4x128xi32, #tpu.memory_space<vmem>>, vector<1x16xi32>,
    %swap3A_243 = vector.shape_cast %swap3A_242 : vector<1x16xi32> to vector<16xi32>
    %swap3A_244 = vector.shape_cast %add3A_238 : vector<16xi32> to vector<1x16xi32>
    tpu.vector_store %arg6[%swap3A_240, %swap3A_241], %swap3A_244 {strides = array<i32>} : memref<4x128xi32, #tpu.memory_space<vmem>>, vector<1x16xi32>,
    %dma_start3A_245 = arith.constant 1 : i32
    %dma_start3A_246 = arith.constant 1 : i32
    %dma_start3A_247 = arith.constant 0 : i32
    %dma_start3A_248 = arith.constant 0 : i32
    %dma_start3A_249 = tpu.memref_slice %arg7[%dma_start3A_246, %dma_start3A_247, %dma_start3A_248] : memref<4x128x64xf32, #tpu.memory_space<vmem>> -> memref<1x128x64xf32, #tpu.memory_space<vmem>>
    %dma_start3A_250 = tpu.memref_squeeze %dma_start3A_249 : memref<1x128x64xf32, #tpu.memory_space<vmem>> -> memref<128x64xf32, #tpu.memory_space<vmem>>
    %dma_start3A_251 = arith.constant 0 : i32
    %dma_start3A_252 = tpu.memref_slice %arg5[%dma_start3A_245, %dma_start3A_251] : memref<200x128xi32, #tpu.memory_space<vmem>> -> memref<1x128xi32, #tpu.memory_space<vmem>>
    %dma_start3A_253 = tpu.memref_squeeze %dma_start3A_252 : memref<1x128xi32, #tpu.memory_space<vmem>> -> memref<128xi32, #tpu.memory_space<vmem>>
    %dma_start3A_254 = arith.constant 0 : i32
    %dma_start3A_255 = arith.constant 0 : i32
    %dma_start3A_256 = tpu.memref_slice %arg3[%dma_start3A_254, %dma_start3A_255] : memref<1000000x64xf32, #tpu.memory_space<hbm>> -> memref<1000000x64xf32, #tpu.memory_space<hbm>>
    tpu.enqueue_indirect_dma source(%dma_start3A_256 : memref<1000000x64xf32, #tpu.memory_space<hbm>>) target(%dma_start3A_250 : memref<128x64xf32, #tpu.memory_space<vmem>>) offsets(%dma_start3A_253 : memref<128xi32, #tpu.memory_space<vmem>>) semaphore(%arg9 : memref<!tpu.dma_semaphore, #tpu.memory_space<semaphore_mem>>)
    %add3A_257 = arith.constant 256 : i32
    %add3A_258 = arith.addi %mul3A_2, %add3A_257 : i32
    %mul3A_259 = arith.constant 2 : i32
    %mul3A_260 = arith.muli %mul3A_259, %add3A_258 : i32
    %add3A_261 = arith.constant 0 : i32
    %add3A_262 = vector.broadcast %add3A_261 : i32 to vector<16xi32>
    %add3A_263 = arith.addi %add3A_262, %iota3A : vector<16xi32>
    %mul3A_264 = arith.constant 2 : i32
    %mul3A_265 = vector.broadcast %mul3A_264 : i32 to vector<16xi32>
    %mul3A_266 = arith.muli %mul3A_265, %add3A_263 : vector<16xi32>
    %add3A_267 = vector.broadcast %mul3A_260 : i32 to vector<16xi32>
    %add3A_268 = arith.addi %add3A_267, %mul3A_266 : vector<16xi32>
    %swap3A_269 = arith.constant 2 : i32
    %swap3A_270 = arith.index_cast %swap3A_269 : i32 to index
    %swap3A_271 = arith.constant 0 : index
    %swap3A_272 = tpu.vector_load %arg6[%swap3A_270, %swap3A_271] {strides = array<i32>} : memref<4x128xi32, #tpu.memory_space<vmem>>, vector<1x16xi32>,
    %swap3A_273 = vector.shape_cast %swap3A_272 : vector<1x16xi32> to vector<16xi32>
    %swap3A_274 = vector.shape_cast %add3A_268 : vector<16xi32> to vector<1x16xi32>
    tpu.vector_store %arg6[%swap3A_270, %swap3A_271], %swap3A_274 {strides = array<i32>} : memref<4x128xi32, #tpu.memory_space<vmem>>, vector<1x16xi32>,
    %add3A_275 = arith.constant 16 : i32
    %add3A_276 = vector.broadcast %add3A_275 : i32 to vector<16xi32>
    %add3A_277 = arith.addi %add3A_276, %iota3A : vector<16xi32>
    %mul3A_278 = arith.constant 2 : i32
    %mul3A_279 = vector.broadcast %mul3A_278 : i32 to vector<16xi32>
    %mul3A_280 = arith.muli %mul3A_279, %add3A_277 : vector<16xi32>
    %add3A_281 = vector.broadcast %mul3A_260 : i32 to vector<16xi32>
    %add3A_282 = arith.addi %add3A_281, %mul3A_280 : vector<16xi32>
    %swap3A_283 = arith.constant 2 : i32
    %swap3A_284 = arith.index_cast %swap3A_283 : i32 to index
    %swap3A_285 = arith.constant 16 : index
    %swap3A_286 = tpu.vector_load %arg6[%swap3A_284, %swap3A_285] {strides = array<i32>} : memref<4x128xi32, #tpu.memory_space<vmem>>, vector<1x16xi32>,
    %swap3A_287 = vector.shape_cast %swap3A_286 : vector<1x16xi32> to vector<16xi32>
    %swap3A_288 = vector.shape_cast %add3A_282 : vector<16xi32> to vector<1x16xi32>
    tpu.vector_store %arg6[%swap3A_284, %swap3A_285], %swap3A_288 {strides = array<i32>} : memref<4x128xi32, #tpu.memory_space<vmem>>, vector<1x16xi32>,
    %add3A_289 = arith.constant 32 : i32
    %add3A_290 = vector.broadcast %add3A_289 : i32 to vector<16xi32>
    %add3A_291 = arith.addi %add3A_290, %iota3A : vector<16xi32>
    %mul3A_292 = arith.constant 2 : i32
    %mul3A_293 = vector.broadcast %mul3A_292 : i32 to vector<16xi32>
    %mul3A_294 = arith.muli %mul3A_293, %add3A_291 : vector<16xi32>
    %add3A_295 = vector.broadcast %mul3A_260 : i32 to vector<16xi32>
    %add3A_296 = arith.addi %add3A_295, %mul3A_294 : vector<16xi32>
    %swap3A_297 = arith.constant 2 : i32
    %swap3A_298 = arith.index_cast %swap3A_297 : i32 to index
    %swap3A_299 = arith.constant 32 : index
    %swap3A_300 = tpu.vector_load %arg6[%swap3A_298, %swap3A_299] {strides = array<i32>} : memref<4x128xi32, #tpu.memory_space<vmem>>, vector<1x16xi32>,
    %swap3A_301 = vector.shape_cast %swap3A_300 : vector<1x16xi32> to vector<16xi32>
    %swap3A_302 = vector.shape_cast %add3A_296 : vector<16xi32> to vector<1x16xi32>
    tpu.vector_store %arg6[%swap3A_298, %swap3A_299], %swap3A_302 {strides = array<i32>} : memref<4x128xi32, #tpu.memory_space<vmem>>, vector<1x16xi32>,
    %add3A_303 = arith.constant 48 : i32
    %add3A_304 = vector.broadcast %add3A_303 : i32 to vector<16xi32>
    %add3A_305 = arith.addi %add3A_304, %iota3A : vector<16xi32>
    %mul3A_306 = arith.constant 2 : i32
    %mul3A_307 = vector.broadcast %mul3A_306 : i32 to vector<16xi32>
    %mul3A_308 = arith.muli %mul3A_307, %add3A_305 : vector<16xi32>
    %add3A_309 = vector.broadcast %mul3A_260 : i32 to vector<16xi32>
    %add3A_310 = arith.addi %add3A_309, %mul3A_308 : vector<16xi32>
    %swap3A_311 = arith.constant 2 : i32
    %swap3A_312 = arith.index_cast %swap3A_311 : i32 to index
    %swap3A_313 = arith.constant 48 : index
    %swap3A_314 = tpu.vector_load %arg6[%swap3A_312, %swap3A_313] {strides = array<i32>} : memref<4x128xi32, #tpu.memory_space<vmem>>, vector<1x16xi32>,
    %swap3A_315 = vector.shape_cast %swap3A_314 : vector<1x16xi32> to vector<16xi32>
    %swap3A_316 = vector.shape_cast %add3A_310 : vector<16xi32> to vector<1x16xi32>
    tpu.vector_store %arg6[%swap3A_312, %swap3A_313], %swap3A_316 {strides = array<i32>} : memref<4x128xi32, #tpu.memory_space<vmem>>, vector<1x16xi32>,
    %add3A_317 = arith.constant 64 : i32
    %add3A_318 = vector.broadcast %add3A_317 : i32 to vector<16xi32>
    %add3A_319 = arith.addi %add3A_318, %iota3A : vector<16xi32>
    %mul3A_320 = arith.constant 2 : i32
    %mul3A_321 = vector.broadcast %mul3A_320 : i32 to vector<16xi32>
    %mul3A_322 = arith.muli %mul3A_321, %add3A_319 : vector<16xi32>
    %add3A_323 = vector.broadcast %mul3A_260 : i32 to vector<16xi32>
    %add3A_324 = arith.addi %add3A_323, %mul3A_322 : vector<16xi32>
    %swap3A_325 = arith.constant 2 : i32
    %swap3A_326 = arith.index_cast %swap3A_325 : i32 to index
    %swap3A_327 = arith.constant 64 : index
    %swap3A_328 = tpu.vector_load %arg6[%swap3A_326, %swap3A_327] {strides = array<i32>} : memref<4x128xi32, #tpu.memory_space<vmem>>, vector<1x16xi32>,
    %swap3A_329 = vector.shape_cast %swap3A_328 : vector<1x16xi32> to vector<16xi32>
    %swap3A_330 = vector.shape_cast %add3A_324 : vector<16xi32> to vector<1x16xi32>
    tpu.vector_store %arg6[%swap3A_326, %swap3A_327], %swap3A_330 {strides = array<i32>} : memref<4x128xi32, #tpu.memory_space<vmem>>, vector<1x16xi32>,
    %add3A_331 = arith.constant 80 : i32
    %add3A_332 = vector.broadcast %add3A_331 : i32 to vector<16xi32>
    %add3A_333 = arith.addi %add3A_332, %iota3A : vector<16xi32>
    %mul3A_334 = arith.constant 2 : i32
    %mul3A_335 = vector.broadcast %mul3A_334 : i32 to vector<16xi32>
    %mul3A_336 = arith.muli %mul3A_335, %add3A_333 : vector<16xi32>
    %add3A_337 = vector.broadcast %mul3A_260 : i32 to vector<16xi32>
    %add3A_338 = arith.addi %add3A_337, %mul3A_336 : vector<16xi32>
    %swap3A_339 = arith.constant 2 : i32
    %swap3A_340 = arith.index_cast %swap3A_339 : i32 to index
    %swap3A_341 = arith.constant 80 : index
    %swap3A_342 = tpu.vector_load %arg6[%swap3A_340, %swap3A_341] {strides = array<i32>} : memref<4x128xi32, #tpu.memory_space<vmem>>, vector<1x16xi32>,
    %swap3A_343 = vector.shape_cast %swap3A_342 : vector<1x16xi32> to vector<16xi32>
    %swap3A_344 = vector.shape_cast %add3A_338 : vector<16xi32> to vector<1x16xi32>
    tpu.vector_store %arg6[%swap3A_340, %swap3A_341], %swap3A_344 {strides = array<i32>} : memref<4x128xi32, #tpu.memory_space<vmem>>, vector<1x16xi32>,
    %add3A_345 = arith.constant 96 : i32
    %add3A_346 = vector.broadcast %add3A_345 : i32 to vector<16xi32>
    %add3A_347 = arith.addi %add3A_346, %iota3A : vector<16xi32>
    %mul3A_348 = arith.constant 2 : i32
    %mul3A_349 = vector.broadcast %mul3A_348 : i32 to vector<16xi32>
    %mul3A_350 = arith.muli %mul3A_349, %add3A_347 : vector<16xi32>
    %add3A_351 = vector.broadcast %mul3A_260 : i32 to vector<16xi32>
    %add3A_352 = arith.addi %add3A_351, %mul3A_350 : vector<16xi32>
    %swap3A_353 = arith.constant 2 : i32
    %swap3A_354 = arith.index_cast %swap3A_353 : i32 to index
    %swap3A_355 = arith.constant 96 : index
    %swap3A_356 = tpu.vector_load %arg6[%swap3A_354, %swap3A_355] {strides = array<i32>} : memref<4x128xi32, #tpu.memory_space<vmem>>, vector<1x16xi32>,
    %swap3A_357 = vector.shape_cast %swap3A_356 : vector<1x16xi32> to vector<16xi32>
    %swap3A_358 = vector.shape_cast %add3A_352 : vector<16xi32> to vector<1x16xi32>
    tpu.vector_store %arg6[%swap3A_354, %swap3A_355], %swap3A_358 {strides = array<i32>} : memref<4x128xi32, #tpu.memory_space<vmem>>, vector<1x16xi32>,
    %add3A_359 = arith.constant 112 : i32
    %add3A_360 = vector.broadcast %add3A_359 : i32 to vector<16xi32>
    %add3A_361 = arith.addi %add3A_360, %iota3A : vector<16xi32>
    %mul3A_362 = arith.constant 2 : i32
    %mul3A_363 = vector.broadcast %mul3A_362 : i32 to vector<16xi32>
    %mul3A_364 = arith.muli %mul3A_363, %add3A_361 : vector<16xi32>
    %add3A_365 = vector.broadcast %mul3A_260 : i32 to vector<16xi32>
    %add3A_366 = arith.addi %add3A_365, %mul3A_364 : vector<16xi32>
    %swap3A_367 = arith.constant 2 : i32
    %swap3A_368 = arith.index_cast %swap3A_367 : i32 to index
    %swap3A_369 = arith.constant 112 : index
    %swap3A_370 = tpu.vector_load %arg6[%swap3A_368, %swap3A_369] {strides = array<i32>} : memref<4x128xi32, #tpu.memory_space<vmem>>, vector<1x16xi32>,
    %swap3A_371 = vector.shape_cast %swap3A_370 : vector<1x16xi32> to vector<16xi32>
    %swap3A_372 = vector.shape_cast %add3A_366 : vector<16xi32> to vector<1x16xi32>
    tpu.vector_store %arg6[%swap3A_368, %swap3A_369], %swap3A_372 {strides = array<i32>} : memref<4x128xi32, #tpu.memory_space<vmem>>, vector<1x16xi32>,
    %dma_start3A_373 = arith.constant 2 : i32
    %dma_start3A_374 = arith.constant 2 : i32
    %dma_start3A_375 = arith.constant 0 : i32
    %dma_start3A_376 = arith.constant 0 : i32
    %dma_start3A_377 = tpu.memref_slice %arg7[%dma_start3A_374, %dma_start3A_375, %dma_start3A_376] : memref<4x128x64xf32, #tpu.memory_space<vmem>> -> memref<1x128x64xf32, #tpu.memory_space<vmem>>
    %dma_start3A_378 = tpu.memref_squeeze %dma_start3A_377 : memref<1x128x64xf32, #tpu.memory_space<vmem>> -> memref<128x64xf32, #tpu.memory_space<vmem>>
    %dma_start3A_379 = arith.constant 0 : i32
    %dma_start3A_380 = tpu.memref_slice %arg5[%dma_start3A_373, %dma_start3A_379] : memref<200x128xi32, #tpu.memory_space<vmem>> -> memref<1x128xi32, #tpu.memory_space<vmem>>
    %dma_start3A_381 = tpu.memref_squeeze %dma_start3A_380 : memref<1x128xi32, #tpu.memory_space<vmem>> -> memref<128xi32, #tpu.memory_space<vmem>>
    %dma_start3A_382 = arith.constant 0 : i32
    %dma_start3A_383 = arith.constant 0 : i32
    %dma_start3A_384 = tpu.memref_slice %arg3[%dma_start3A_382, %dma_start3A_383] : memref<1000000x64xf32, #tpu.memory_space<hbm>> -> memref<1000000x64xf32, #tpu.memory_space<hbm>>
    tpu.enqueue_indirect_dma source(%dma_start3A_384 : memref<1000000x64xf32, #tpu.memory_space<hbm>>) target(%dma_start3A_378 : memref<128x64xf32, #tpu.memory_space<vmem>>) offsets(%dma_start3A_381 : memref<128xi32, #tpu.memory_space<vmem>>) semaphore(%arg10 : memref<!tpu.dma_semaphore, #tpu.memory_space<semaphore_mem>>)
    %scan3A = arith.constant 0 : i32
    %scan3A_385 = arith.constant 0 : i32
    %scan3A_386 = arith.constant 50 : i32
    %scan3A_387 = arith.addi %scan3A_385, %scan3A_386 : i32
    %scan3A_388 = arith.constant 1 : i32
    %scan3A_389 = scf.for %scan3A_402 = %scan3A_385 to %scan3A_387 step %scan3A_388 iter_args(%scan3A_403 = %scan3A) -> (i32)  : i32 {
      %mul3A_404 = arith.constant 4 : i32
      %mul3A_405 = arith.muli %scan3A_402, %mul3A_404 : i32
      %add3A_406 = arith.constant 0 : i32
      %add3A_407 = arith.addi %mul3A_405, %add3A_406 : i32
      %add3A_408 = arith.constant 4 : i32
      %add3A_409 = arith.addi %add3A_407, %add3A_408 : i32
      %sub3A = arith.constant 1 : i32
      %sub3A_410 = arith.subi %add3A_409, %sub3A : i32
      %gt3A = arith.constant 0 : i32
      %gt3A_411 = arith.cmpi sgt, %add3A_407, %gt3A : i32
      %convert_element_type3A = arith.extui %gt3A_411 : i1 to i32
      %cond3A = arith.constant 0 : i32
      %cond3A_412 = arith.cmpi ne, %convert_element_type3A, %cond3A : i32
      scf.if %cond3A_412 {
        %dma_wait3A_558 = arith.constant 3 : i32
        %dma_wait3A_559 = arith.constant 3 : i32
        %dma_wait3A_560 = arith.constant 0 : i32
        %dma_wait3A_561 = arith.constant 0 : i32
        %dma_wait3A_562 = tpu.memref_slice %arg7[%dma_wait3A_558, %dma_wait3A_560, %dma_wait3A_561] : memref<4x128x64xf32, #tpu.memory_space<vmem>> -> memref<1x128x64xf32, #tpu.memory_space<vmem>>
        %dma_wait3A_563 = tpu.memref_squeeze %dma_wait3A_562 : memref<1x128x64xf32, #tpu.memory_space<vmem>> -> memref<128x64xf32, #tpu.memory_space<vmem>>
        %dma_wait3A_564 = arith.constant 0 : i32
        %dma_wait3A_565 = tpu.memref_slice %arg6[%dma_wait3A_559, %dma_wait3A_564] : memref<4x128xi32, #tpu.memory_space<vmem>> -> memref<1x128xi32, #tpu.memory_space<vmem>>
        %dma_wait3A_566 = tpu.memref_squeeze %dma_wait3A_565 : memref<1x128xi32, #tpu.memory_space<vmem>> -> memref<128xi32, #tpu.memory_space<vmem>>
        %dma_wait3A_567 = arith.constant 0 : i32
        %dma_wait3A_568 = arith.constant 0 : i32
        %dma_wait3A_569 = tpu.memref_slice %arg4[%dma_wait3A_567, %dma_wait3A_568] : memref<1638400x64xf32, #tpu.memory_space<hbm>> -> memref<1638400x64xf32, #tpu.memory_space<hbm>>
        tpu.wait_indirect_dma semaphore(%arg15 : memref<!tpu.dma_semaphore, #tpu.memory_space<semaphore_mem>>) src(%dma_wait3A_563 : memref<128x64xf32, #tpu.memory_space<vmem>>) dst(%dma_wait3A_569 : memref<1638400x64xf32, #tpu.memory_space<hbm>>)
      } else {
      }
      %lt3A = arith.constant 200 : i32
      %lt3A_413 = arith.cmpi slt, %sub3A_410, %lt3A : i32
      %convert_element_type3A_414 = arith.extui %lt3A_413 : i1 to i32
      %cond3A_415 = arith.constant 0 : i32
      %cond3A_416 = arith.cmpi ne, %convert_element_type3A_414, %cond3A_415 : i32
      scf.if %cond3A_416 {
        %mul3A_558 = arith.constant 128 : i32
        %mul3A_559 = arith.muli %sub3A_410, %mul3A_558 : i32
        %add3A_560 = arith.addi %mul3A_2, %mul3A_559 : i32
        %mul3A_561 = arith.constant 2 : i32
        %mul3A_562 = arith.muli %mul3A_561, %add3A_560 : i32
        %add3A_563 = arith.constant 0 : i32
        %add3A_564 = vector.broadcast %add3A_563 : i32 to vector<16xi32>
        %add3A_565 = arith.addi %add3A_564, %iota3A : vector<16xi32>
        %mul3A_566 = arith.constant 2 : i32
        %mul3A_567 = vector.broadcast %mul3A_566 : i32 to vector<16xi32>
        %mul3A_568 = arith.muli %mul3A_567, %add3A_565 : vector<16xi32>
        %add3A_569 = vector.broadcast %mul3A_562 : i32 to vector<16xi32>
        %add3A_570 = arith.addi %add3A_569, %mul3A_568 : vector<16xi32>
        %swap3A_571 = arith.constant 3 : i32
        %swap3A_572 = arith.index_cast %swap3A_571 : i32 to index
        %swap3A_573 = arith.constant 0 : index
        %swap3A_574 = tpu.vector_load %arg6[%swap3A_572, %swap3A_573] {strides = array<i32>} : memref<4x128xi32, #tpu.memory_space<vmem>>, vector<1x16xi32>,
        %swap3A_575 = vector.shape_cast %swap3A_574 : vector<1x16xi32> to vector<16xi32>
        %swap3A_576 = vector.shape_cast %add3A_570 : vector<16xi32> to vector<1x16xi32>
        tpu.vector_store %arg6[%swap3A_572, %swap3A_573], %swap3A_576 {strides = array<i32>} : memref<4x128xi32, #tpu.memory_space<vmem>>, vector<1x16xi32>,
        %add3A_577 = arith.constant 16 : i32
        %add3A_578 = vector.broadcast %add3A_577 : i32 to vector<16xi32>
        %add3A_579 = arith.addi %add3A_578, %iota3A : vector<16xi32>
        %mul3A_580 = arith.constant 2 : i32
        %mul3A_581 = vector.broadcast %mul3A_580 : i32 to vector<16xi32>
        %mul3A_582 = arith.muli %mul3A_581, %add3A_579 : vector<16xi32>
        %add3A_583 = vector.broadcast %mul3A_562 : i32 to vector<16xi32>
        %add3A_584 = arith.addi %add3A_583, %mul3A_582 : vector<16xi32>
        %swap3A_585 = arith.constant 3 : i32
        %swap3A_586 = arith.index_cast %swap3A_585 : i32 to index
        %swap3A_587 = arith.constant 16 : index
        %swap3A_588 = tpu.vector_load %arg6[%swap3A_586, %swap3A_587] {strides = array<i32>} : memref<4x128xi32, #tpu.memory_space<vmem>>, vector<1x16xi32>,
        %swap3A_589 = vector.shape_cast %swap3A_588 : vector<1x16xi32> to vector<16xi32>
        %swap3A_590 = vector.shape_cast %add3A_584 : vector<16xi32> to vector<1x16xi32>
        tpu.vector_store %arg6[%swap3A_586, %swap3A_587], %swap3A_590 {strides = array<i32>} : memref<4x128xi32, #tpu.memory_space<vmem>>, vector<1x16xi32>,
        %add3A_591 = arith.constant 32 : i32
        %add3A_592 = vector.broadcast %add3A_591 : i32 to vector<16xi32>
        %add3A_593 = arith.addi %add3A_592, %iota3A : vector<16xi32>
        %mul3A_594 = arith.constant 2 : i32
        %mul3A_595 = vector.broadcast %mul3A_594 : i32 to vector<16xi32>
        %mul3A_596 = arith.muli %mul3A_595, %add3A_593 : vector<16xi32>
        %add3A_597 = vector.broadcast %mul3A_562 : i32 to vector<16xi32>
        %add3A_598 = arith.addi %add3A_597, %mul3A_596 : vector<16xi32>
        %swap3A_599 = arith.constant 3 : i32
        %swap3A_600 = arith.index_cast %swap3A_599 : i32 to index
        %swap3A_601 = arith.constant 32 : index
        %swap3A_602 = tpu.vector_load %arg6[%swap3A_600, %swap3A_601] {strides = array<i32>} : memref<4x128xi32, #tpu.memory_space<vmem>>, vector<1x16xi32>,
        %swap3A_603 = vector.shape_cast %swap3A_602 : vector<1x16xi32> to vector<16xi32>
        %swap3A_604 = vector.shape_cast %add3A_598 : vector<16xi32> to vector<1x16xi32>
        tpu.vector_store %arg6[%swap3A_600, %swap3A_601], %swap3A_604 {strides = array<i32>} : memref<4x128xi32, #tpu.memory_space<vmem>>, vector<1x16xi32>,
        %add3A_605 = arith.constant 48 : i32
        %add3A_606 = vector.broadcast %add3A_605 : i32 to vector<16xi32>
        %add3A_607 = arith.addi %add3A_606, %iota3A : vector<16xi32>
        %mul3A_608 = arith.constant 2 : i32
        %mul3A_609 = vector.broadcast %mul3A_608 : i32 to vector<16xi32>
        %mul3A_610 = arith.muli %mul3A_609, %add3A_607 : vector<16xi32>
        %add3A_611 = vector.broadcast %mul3A_562 : i32 to vector<16xi32>
        %add3A_612 = arith.addi %add3A_611, %mul3A_610 : vector<16xi32>
        %swap3A_613 = arith.constant 3 : i32
        %swap3A_614 = arith.index_cast %swap3A_613 : i32 to index
        %swap3A_615 = arith.constant 48 : index
        %swap3A_616 = tpu.vector_load %arg6[%swap3A_614, %swap3A_615] {strides = array<i32>} : memref<4x128xi32, #tpu.memory_space<vmem>>, vector<1x16xi32>,
        %swap3A_617 = vector.shape_cast %swap3A_616 : vector<1x16xi32> to vector<16xi32>
        %swap3A_618 = vector.shape_cast %add3A_612 : vector<16xi32> to vector<1x16xi32>
        tpu.vector_store %arg6[%swap3A_614, %swap3A_615], %swap3A_618 {strides = array<i32>} : memref<4x128xi32, #tpu.memory_space<vmem>>, vector<1x16xi32>,
        %add3A_619 = arith.constant 64 : i32
        %add3A_620 = vector.broadcast %add3A_619 : i32 to vector<16xi32>
        %add3A_621 = arith.addi %add3A_620, %iota3A : vector<16xi32>
        %mul3A_622 = arith.constant 2 : i32
        %mul3A_623 = vector.broadcast %mul3A_622 : i32 to vector<16xi32>
        %mul3A_624 = arith.muli %mul3A_623, %add3A_621 : vector<16xi32>
        %add3A_625 = vector.broadcast %mul3A_562 : i32 to vector<16xi32>
        %add3A_626 = arith.addi %add3A_625, %mul3A_624 : vector<16xi32>
        %swap3A_627 = arith.constant 3 : i32
        %swap3A_628 = arith.index_cast %swap3A_627 : i32 to index
        %swap3A_629 = arith.constant 64 : index
        %swap3A_630 = tpu.vector_load %arg6[%swap3A_628, %swap3A_629] {strides = array<i32>} : memref<4x128xi32, #tpu.memory_space<vmem>>, vector<1x16xi32>,
        %swap3A_631 = vector.shape_cast %swap3A_630 : vector<1x16xi32> to vector<16xi32>
        %swap3A_632 = vector.shape_cast %add3A_626 : vector<16xi32> to vector<1x16xi32>
        tpu.vector_store %arg6[%swap3A_628, %swap3A_629], %swap3A_632 {strides = array<i32>} : memref<4x128xi32, #tpu.memory_space<vmem>>, vector<1x16xi32>,
        %add3A_633 = arith.constant 80 : i32
        %add3A_634 = vector.broadcast %add3A_633 : i32 to vector<16xi32>
        %add3A_635 = arith.addi %add3A_634, %iota3A : vector<16xi32>
        %mul3A_636 = arith.constant 2 : i32
        %mul3A_637 = vector.broadcast %mul3A_636 : i32 to vector<16xi32>
        %mul3A_638 = arith.muli %mul3A_637, %add3A_635 : vector<16xi32>
        %add3A_639 = vector.broadcast %mul3A_562 : i32 to vector<16xi32>
        %add3A_640 = arith.addi %add3A_639, %mul3A_638 : vector<16xi32>
        %swap3A_641 = arith.constant 3 : i32
        %swap3A_642 = arith.index_cast %swap3A_641 : i32 to index
        %swap3A_643 = arith.constant 80 : index
        %swap3A_644 = tpu.vector_load %arg6[%swap3A_642, %swap3A_643] {strides = array<i32>} : memref<4x128xi32, #tpu.memory_space<vmem>>, vector<1x16xi32>,
        %swap3A_645 = vector.shape_cast %swap3A_644 : vector<1x16xi32> to vector<16xi32>
        %swap3A_646 = vector.shape_cast %add3A_640 : vector<16xi32> to vector<1x16xi32>
        tpu.vector_store %arg6[%swap3A_642, %swap3A_643], %swap3A_646 {strides = array<i32>} : memref<4x128xi32, #tpu.memory_space<vmem>>, vector<1x16xi32>,
        %add3A_647 = arith.constant 96 : i32
        %add3A_648 = vector.broadcast %add3A_647 : i32 to vector<16xi32>
        %add3A_649 = arith.addi %add3A_648, %iota3A : vector<16xi32>
        %mul3A_650 = arith.constant 2 : i32
        %mul3A_651 = vector.broadcast %mul3A_650 : i32 to vector<16xi32>
        %mul3A_652 = arith.muli %mul3A_651, %add3A_649 : vector<16xi32>
        %add3A_653 = vector.broadcast %mul3A_562 : i32 to vector<16xi32>
        %add3A_654 = arith.addi %add3A_653, %mul3A_652 : vector<16xi32>
        %swap3A_655 = arith.constant 3 : i32
        %swap3A_656 = arith.index_cast %swap3A_655 : i32 to index
        %swap3A_657 = arith.constant 96 : index
        %swap3A_658 = tpu.vector_load %arg6[%swap3A_656, %swap3A_657] {strides = array<i32>} : memref<4x128xi32, #tpu.memory_space<vmem>>, vector<1x16xi32>,
        %swap3A_659 = vector.shape_cast %swap3A_658 : vector<1x16xi32> to vector<16xi32>
        %swap3A_660 = vector.shape_cast %add3A_654 : vector<16xi32> to vector<1x16xi32>
        tpu.vector_store %arg6[%swap3A_656, %swap3A_657], %swap3A_660 {strides = array<i32>} : memref<4x128xi32, #tpu.memory_space<vmem>>, vector<1x16xi32>,
        %add3A_661 = arith.constant 112 : i32
        %add3A_662 = vector.broadcast %add3A_661 : i32 to vector<16xi32>
        %add3A_663 = arith.addi %add3A_662, %iota3A : vector<16xi32>
        %mul3A_664 = arith.constant 2 : i32
        %mul3A_665 = vector.broadcast %mul3A_664 : i32 to vector<16xi32>
        %mul3A_666 = arith.muli %mul3A_665, %add3A_663 : vector<16xi32>
        %add3A_667 = vector.broadcast %mul3A_562 : i32 to vector<16xi32>
        %add3A_668 = arith.addi %add3A_667, %mul3A_666 : vector<16xi32>
        %swap3A_669 = arith.constant 3 : i32
        %swap3A_670 = arith.index_cast %swap3A_669 : i32 to index
        %swap3A_671 = arith.constant 112 : index
        %swap3A_672 = tpu.vector_load %arg6[%swap3A_670, %swap3A_671] {strides = array<i32>} : memref<4x128xi32, #tpu.memory_space<vmem>>, vector<1x16xi32>,
        %swap3A_673 = vector.shape_cast %swap3A_672 : vector<1x16xi32> to vector<16xi32>
        %swap3A_674 = vector.shape_cast %add3A_668 : vector<16xi32> to vector<1x16xi32>
        tpu.vector_store %arg6[%swap3A_670, %swap3A_671], %swap3A_674 {strides = array<i32>} : memref<4x128xi32, #tpu.memory_space<vmem>>, vector<1x16xi32>,
        %dma_start3A_675 = arith.constant 3 : i32
        %dma_start3A_676 = arith.constant 0 : i32
        %dma_start3A_677 = arith.constant 0 : i32
        %dma_start3A_678 = tpu.memref_slice %arg7[%dma_start3A_675, %dma_start3A_676, %dma_start3A_677] : memref<4x128x64xf32, #tpu.memory_space<vmem>> -> memref<1x128x64xf32, #tpu.memory_space<vmem>>
        %dma_start3A_679 = tpu.memref_squeeze %dma_start3A_678 : memref<1x128x64xf32, #tpu.memory_space<vmem>> -> memref<128x64xf32, #tpu.memory_space<vmem>>
        %dma_start3A_680 = arith.constant 0 : i32
        %dma_start3A_681 = tpu.memref_slice %arg5[%sub3A_410, %dma_start3A_680] : memref<200x128xi32, #tpu.memory_space<vmem>> -> memref<1x128xi32, #tpu.memory_space<vmem>>
        %dma_start3A_682 = tpu.memref_squeeze %dma_start3A_681 : memref<1x128xi32, #tpu.memory_space<vmem>> -> memref<128xi32, #tpu.memory_space<vmem>>
        %dma_start3A_683 = arith.constant 0 : i32
        %dma_start3A_684 = arith.constant 0 : i32
        %dma_start3A_685 = tpu.memref_slice %arg3[%dma_start3A_683, %dma_start3A_684] : memref<1000000x64xf32, #tpu.memory_space<hbm>> -> memref<1000000x64xf32, #tpu.memory_space<hbm>>
        tpu.enqueue_indirect_dma source(%dma_start3A_685 : memref<1000000x64xf32, #tpu.memory_space<hbm>>) target(%dma_start3A_679 : memref<128x64xf32, #tpu.memory_space<vmem>>) offsets(%dma_start3A_682 : memref<128xi32, #tpu.memory_space<vmem>>) semaphore(%arg11 : memref<!tpu.dma_semaphore, #tpu.memory_space<semaphore_mem>>)
      } else {
      }
      %dma_wait3A_417 = arith.constant 0 : i32
      %dma_wait3A_418 = arith.constant 0 : i32
      %dma_wait3A_419 = arith.constant 0 : i32
      %dma_wait3A_420 = tpu.memref_slice %arg7[%dma_wait3A_417, %dma_wait3A_418, %dma_wait3A_419] : memref<4x128x64xf32, #tpu.memory_space<vmem>> -> memref<1x128x64xf32, #tpu.memory_space<vmem>>
      %dma_wait3A_421 = tpu.memref_squeeze %dma_wait3A_420 : memref<1x128x64xf32, #tpu.memory_space<vmem>> -> memref<128x64xf32, #tpu.memory_space<vmem>>
      %dma_wait3A_422 = arith.constant 0 : i32
      %dma_wait3A_423 = tpu.memref_slice %arg5[%add3A_407, %dma_wait3A_422] : memref<200x128xi32, #tpu.memory_space<vmem>> -> memref<1x128xi32, #tpu.memory_space<vmem>>
      %dma_wait3A_424 = tpu.memref_squeeze %dma_wait3A_423 : memref<1x128xi32, #tpu.memory_space<vmem>> -> memref<128xi32, #tpu.memory_space<vmem>>
      %dma_wait3A_425 = arith.constant 0 : i32
      %dma_wait3A_426 = arith.constant 0 : i32
      %dma_wait3A_427 = tpu.memref_slice %arg3[%dma_wait3A_425, %dma_wait3A_426] : memref<1000000x64xf32, #tpu.memory_space<hbm>> -> memref<1000000x64xf32, #tpu.memory_space<hbm>>
      tpu.wait_indirect_dma semaphore(%arg8 : memref<!tpu.dma_semaphore, #tpu.memory_space<semaphore_mem>>) src(%dma_wait3A_427 : memref<1000000x64xf32, #tpu.memory_space<hbm>>) dst(%dma_wait3A_421 : memref<128x64xf32, #tpu.memory_space<vmem>>)
      %dma_start3A_428 = arith.constant 0 : i32
      %dma_start3A_429 = arith.constant 0 : i32
      %dma_start3A_430 = arith.constant 0 : i32
      %dma_start3A_431 = arith.constant 0 : i32
      %dma_start3A_432 = tpu.memref_slice %arg7[%dma_start3A_428, %dma_start3A_430, %dma_start3A_431] : memref<4x128x64xf32, #tpu.memory_space<vmem>> -> memref<1x128x64xf32, #tpu.memory_space<vmem>>
      %dma_start3A_433 = tpu.memref_squeeze %dma_start3A_432 : memref<1x128x64xf32, #tpu.memory_space<vmem>> -> memref<128x64xf32, #tpu.memory_space<vmem>>
      %dma_start3A_434 = arith.constant 0 : i32
      %dma_start3A_435 = tpu.memref_slice %arg6[%dma_start3A_429, %dma_start3A_434] : memref<4x128xi32, #tpu.memory_space<vmem>> -> memref<1x128xi32, #tpu.memory_space<vmem>>
      %dma_start3A_436 = tpu.memref_squeeze %dma_start3A_435 : memref<1x128xi32, #tpu.memory_space<vmem>> -> memref<128xi32, #tpu.memory_space<vmem>>
      %dma_start3A_437 = arith.constant 0 : i32
      %dma_start3A_438 = arith.constant 0 : i32
      %dma_start3A_439 = tpu.memref_slice %arg4[%dma_start3A_437, %dma_start3A_438] : memref<1638400x64xf32, #tpu.memory_space<hbm>> -> memref<1638400x64xf32, #tpu.memory_space<hbm>>
      tpu.enqueue_indirect_dma source(%dma_start3A_433 : memref<128x64xf32, #tpu.memory_space<vmem>>) target(%dma_start3A_439 : memref<1638400x64xf32, #tpu.memory_space<hbm>>) offsets(%dma_start3A_436 : memref<128xi32, #tpu.memory_space<vmem>>) semaphore(%arg12 : memref<!tpu.dma_semaphore, #tpu.memory_space<semaphore_mem>>)
      %add3A_440 = arith.constant 1 : i32
      %add3A_441 = arith.addi %mul3A_405, %add3A_440 : i32
      %add3A_442 = arith.constant 4 : i32
      %add3A_443 = arith.addi %add3A_441, %add3A_442 : i32
      %sub3A_444 = arith.constant 1 : i32
      %sub3A_445 = arith.subi %add3A_443, %sub3A_444 : i32
      %gt3A_446 = arith.constant 0 : i32
      %gt3A_447 = arith.cmpi sgt, %add3A_441, %gt3A_446 : i32
      %convert_element_type3A_448 = arith.extui %gt3A_447 : i1 to i32
      %cond3A_449 = arith.constant 0 : i32
      %cond3A_450 = arith.cmpi ne, %convert_element_type3A_448, %cond3A_449 : i32
      scf.if %cond3A_450 {
        %dma_wait3A_558 = arith.constant 0 : i32
        %dma_wait3A_559 = arith.constant 0 : i32
        %dma_wait3A_560 = arith.constant 0 : i32
        %dma_wait3A_561 = arith.constant 0 : i32
        %dma_wait3A_562 = tpu.memref_slice %arg7[%dma_wait3A_558, %dma_wait3A_560, %dma_wait3A_561] : memref<4x128x64xf32, #tpu.memory_space<vmem>> -> memref<1x128x64xf32, #tpu.memory_space<vmem>>
        %dma_wait3A_563 = tpu.memref_squeeze %dma_wait3A_562 : memref<1x128x64xf32, #tpu.memory_space<vmem>> -> memref<128x64xf32, #tpu.memory_space<vmem>>
        %dma_wait3A_564 = arith.constant 0 : i32
        %dma_wait3A_565 = tpu.memref_slice %arg6[%dma_wait3A_559, %dma_wait3A_564] : memref<4x128xi32, #tpu.memory_space<vmem>> -> memref<1x128xi32, #tpu.memory_space<vmem>>
        %dma_wait3A_566 = tpu.memref_squeeze %dma_wait3A_565 : memref<1x128xi32, #tpu.memory_space<vmem>> -> memref<128xi32, #tpu.memory_space<vmem>>
        %dma_wait3A_567 = arith.constant 0 : i32
        %dma_wait3A_568 = arith.constant 0 : i32
        %dma_wait3A_569 = tpu.memref_slice %arg4[%dma_wait3A_567, %dma_wait3A_568] : memref<1638400x64xf32, #tpu.memory_space<hbm>> -> memref<1638400x64xf32, #tpu.memory_space<hbm>>
        tpu.wait_indirect_dma semaphore(%arg12 : memref<!tpu.dma_semaphore, #tpu.memory_space<semaphore_mem>>) src(%dma_wait3A_563 : memref<128x64xf32, #tpu.memory_space<vmem>>) dst(%dma_wait3A_569 : memref<1638400x64xf32, #tpu.memory_space<hbm>>)
      } else {
      }
      %lt3A_451 = arith.constant 200 : i32
      %lt3A_452 = arith.cmpi slt, %sub3A_445, %lt3A_451 : i32
      %convert_element_type3A_453 = arith.extui %lt3A_452 : i1 to i32
      %cond3A_454 = arith.constant 0 : i32
      %cond3A_455 = arith.cmpi ne, %convert_element_type3A_453, %cond3A_454 : i32
      scf.if %cond3A_455 {
        %mul3A_558 = arith.constant 128 : i32
        %mul3A_559 = arith.muli %sub3A_445, %mul3A_558 : i32
        %add3A_560 = arith.addi %mul3A_2, %mul3A_559 : i32
        %mul3A_561 = arith.constant 2 : i32
        %mul3A_562 = arith.muli %mul3A_561, %add3A_560 : i32
        %add3A_563 = arith.constant 0 : i32
        %add3A_564 = vector.broadcast %add3A_563 : i32 to vector<16xi32>
        %add3A_565 = arith.addi %add3A_564, %iota3A : vector<16xi32>
        %mul3A_566 = arith.constant 2 : i32
        %mul3A_567 = vector.broadcast %mul3A_566 : i32 to vector<16xi32>
        %mul3A_568 = arith.muli %mul3A_567, %add3A_565 : vector<16xi32>
        %add3A_569 = vector.broadcast %mul3A_562 : i32 to vector<16xi32>
        %add3A_570 = arith.addi %add3A_569, %mul3A_568 : vector<16xi32>
        %swap3A_571 = arith.constant 0 : i32
        %swap3A_572 = arith.index_cast %swap3A_571 : i32 to index
        %swap3A_573 = arith.constant 0 : index
        %swap3A_574 = tpu.vector_load %arg6[%swap3A_572, %swap3A_573] {strides = array<i32>} : memref<4x128xi32, #tpu.memory_space<vmem>>, vector<1x16xi32>,
        %swap3A_575 = vector.shape_cast %swap3A_574 : vector<1x16xi32> to vector<16xi32>
        %swap3A_576 = vector.shape_cast %add3A_570 : vector<16xi32> to vector<1x16xi32>
        tpu.vector_store %arg6[%swap3A_572, %swap3A_573], %swap3A_576 {strides = array<i32>} : memref<4x128xi32, #tpu.memory_space<vmem>>, vector<1x16xi32>,
        %add3A_577 = arith.constant 16 : i32
        %add3A_578 = vector.broadcast %add3A_577 : i32 to vector<16xi32>
        %add3A_579 = arith.addi %add3A_578, %iota3A : vector<16xi32>
        %mul3A_580 = arith.constant 2 : i32
        %mul3A_581 = vector.broadcast %mul3A_580 : i32 to vector<16xi32>
        %mul3A_582 = arith.muli %mul3A_581, %add3A_579 : vector<16xi32>
        %add3A_583 = vector.broadcast %mul3A_562 : i32 to vector<16xi32>
        %add3A_584 = arith.addi %add3A_583, %mul3A_582 : vector<16xi32>
        %swap3A_585 = arith.constant 0 : i32
        %swap3A_586 = arith.index_cast %swap3A_585 : i32 to index
        %swap3A_587 = arith.constant 16 : index
        %swap3A_588 = tpu.vector_load %arg6[%swap3A_586, %swap3A_587] {strides = array<i32>} : memref<4x128xi32, #tpu.memory_space<vmem>>, vector<1x16xi32>,
        %swap3A_589 = vector.shape_cast %swap3A_588 : vector<1x16xi32> to vector<16xi32>
        %swap3A_590 = vector.shape_cast %add3A_584 : vector<16xi32> to vector<1x16xi32>
        tpu.vector_store %arg6[%swap3A_586, %swap3A_587], %swap3A_590 {strides = array<i32>} : memref<4x128xi32, #tpu.memory_space<vmem>>, vector<1x16xi32>,
        %add3A_591 = arith.constant 32 : i32
        %add3A_592 = vector.broadcast %add3A_591 : i32 to vector<16xi32>
        %add3A_593 = arith.addi %add3A_592, %iota3A : vector<16xi32>
        %mul3A_594 = arith.constant 2 : i32
        %mul3A_595 = vector.broadcast %mul3A_594 : i32 to vector<16xi32>
        %mul3A_596 = arith.muli %mul3A_595, %add3A_593 : vector<16xi32>
        %add3A_597 = vector.broadcast %mul3A_562 : i32 to vector<16xi32>
        %add3A_598 = arith.addi %add3A_597, %mul3A_596 : vector<16xi32>
        %swap3A_599 = arith.constant 0 : i32
        %swap3A_600 = arith.index_cast %swap3A_599 : i32 to index
        %swap3A_601 = arith.constant 32 : index
        %swap3A_602 = tpu.vector_load %arg6[%swap3A_600, %swap3A_601] {strides = array<i32>} : memref<4x128xi32, #tpu.memory_space<vmem>>, vector<1x16xi32>,
        %swap3A_603 = vector.shape_cast %swap3A_602 : vector<1x16xi32> to vector<16xi32>
        %swap3A_604 = vector.shape_cast %add3A_598 : vector<16xi32> to vector<1x16xi32>
        tpu.vector_store %arg6[%swap3A_600, %swap3A_601], %swap3A_604 {strides = array<i32>} : memref<4x128xi32, #tpu.memory_space<vmem>>, vector<1x16xi32>,
        %add3A_605 = arith.constant 48 : i32
        %add3A_606 = vector.broadcast %add3A_605 : i32 to vector<16xi32>
        %add3A_607 = arith.addi %add3A_606, %iota3A : vector<16xi32>
        %mul3A_608 = arith.constant 2 : i32
        %mul3A_609 = vector.broadcast %mul3A_608 : i32 to vector<16xi32>
        %mul3A_610 = arith.muli %mul3A_609, %add3A_607 : vector<16xi32>
        %add3A_611 = vector.broadcast %mul3A_562 : i32 to vector<16xi32>
        %add3A_612 = arith.addi %add3A_611, %mul3A_610 : vector<16xi32>
        %swap3A_613 = arith.constant 0 : i32
        %swap3A_614 = arith.index_cast %swap3A_613 : i32 to index
        %swap3A_615 = arith.constant 48 : index
        %swap3A_616 = tpu.vector_load %arg6[%swap3A_614, %swap3A_615] {strides = array<i32>} : memref<4x128xi32, #tpu.memory_space<vmem>>, vector<1x16xi32>,
        %swap3A_617 = vector.shape_cast %swap3A_616 : vector<1x16xi32> to vector<16xi32>
        %swap3A_618 = vector.shape_cast %add3A_612 : vector<16xi32> to vector<1x16xi32>
        tpu.vector_store %arg6[%swap3A_614, %swap3A_615], %swap3A_618 {strides = array<i32>} : memref<4x128xi32, #tpu.memory_space<vmem>>, vector<1x16xi32>,
        %add3A_619 = arith.constant 64 : i32
        %add3A_620 = vector.broadcast %add3A_619 : i32 to vector<16xi32>
        %add3A_621 = arith.addi %add3A_620, %iota3A : vector<16xi32>
        %mul3A_622 = arith.constant 2 : i32
        %mul3A_623 = vector.broadcast %mul3A_622 : i32 to vector<16xi32>
        %mul3A_624 = arith.muli %mul3A_623, %add3A_621 : vector<16xi32>
        %add3A_625 = vector.broadcast %mul3A_562 : i32 to vector<16xi32>
        %add3A_626 = arith.addi %add3A_625, %mul3A_624 : vector<16xi32>
        %swap3A_627 = arith.constant 0 : i32
        %swap3A_628 = arith.index_cast %swap3A_627 : i32 to index
        %swap3A_629 = arith.constant 64 : index
        %swap3A_630 = tpu.vector_load %arg6[%swap3A_628, %swap3A_629] {strides = array<i32>} : memref<4x128xi32, #tpu.memory_space<vmem>>, vector<1x16xi32>,
        %swap3A_631 = vector.shape_cast %swap3A_630 : vector<1x16xi32> to vector<16xi32>
        %swap3A_632 = vector.shape_cast %add3A_626 : vector<16xi32> to vector<1x16xi32>
        tpu.vector_store %arg6[%swap3A_628, %swap3A_629], %swap3A_632 {strides = array<i32>} : memref<4x128xi32, #tpu.memory_space<vmem>>, vector<1x16xi32>,
        %add3A_633 = arith.constant 80 : i32
        %add3A_634 = vector.broadcast %add3A_633 : i32 to vector<16xi32>
        %add3A_635 = arith.addi %add3A_634, %iota3A : vector<16xi32>
        %mul3A_636 = arith.constant 2 : i32
        %mul3A_637 = vector.broadcast %mul3A_636 : i32 to vector<16xi32>
        %mul3A_638 = arith.muli %mul3A_637, %add3A_635 : vector<16xi32>
        %add3A_639 = vector.broadcast %mul3A_562 : i32 to vector<16xi32>
        %add3A_640 = arith.addi %add3A_639, %mul3A_638 : vector<16xi32>
        %swap3A_641 = arith.constant 0 : i32
        %swap3A_642 = arith.index_cast %swap3A_641 : i32 to index
        %swap3A_643 = arith.constant 80 : index
        %swap3A_644 = tpu.vector_load %arg6[%swap3A_642, %swap3A_643] {strides = array<i32>} : memref<4x128xi32, #tpu.memory_space<vmem>>, vector<1x16xi32>,
        %swap3A_645 = vector.shape_cast %swap3A_644 : vector<1x16xi32> to vector<16xi32>
        %swap3A_646 = vector.shape_cast %add3A_640 : vector<16xi32> to vector<1x16xi32>
        tpu.vector_store %arg6[%swap3A_642, %swap3A_643], %swap3A_646 {strides = array<i32>} : memref<4x128xi32, #tpu.memory_space<vmem>>, vector<1x16xi32>,
        %add3A_647 = arith.constant 96 : i32
        %add3A_648 = vector.broadcast %add3A_647 : i32 to vector<16xi32>
        %add3A_649 = arith.addi %add3A_648, %iota3A : vector<16xi32>
        %mul3A_650 = arith.constant 2 : i32
        %mul3A_651 = vector.broadcast %mul3A_650 : i32 to vector<16xi32>
        %mul3A_652 = arith.muli %mul3A_651, %add3A_649 : vector<16xi32>
        %add3A_653 = vector.broadcast %mul3A_562 : i32 to vector<16xi32>
        %add3A_654 = arith.addi %add3A_653, %mul3A_652 : vector<16xi32>
        %swap3A_655 = arith.constant 0 : i32
        %swap3A_656 = arith.index_cast %swap3A_655 : i32 to index
        %swap3A_657 = arith.constant 96 : index
        %swap3A_658 = tpu.vector_load %arg6[%swap3A_656, %swap3A_657] {strides = array<i32>} : memref<4x128xi32, #tpu.memory_space<vmem>>, vector<1x16xi32>,
        %swap3A_659 = vector.shape_cast %swap3A_658 : vector<1x16xi32> to vector<16xi32>
        %swap3A_660 = vector.shape_cast %add3A_654 : vector<16xi32> to vector<1x16xi32>
        tpu.vector_store %arg6[%swap3A_656, %swap3A_657], %swap3A_660 {strides = array<i32>} : memref<4x128xi32, #tpu.memory_space<vmem>>, vector<1x16xi32>,
        %add3A_661 = arith.constant 112 : i32
        %add3A_662 = vector.broadcast %add3A_661 : i32 to vector<16xi32>
        %add3A_663 = arith.addi %add3A_662, %iota3A : vector<16xi32>
        %mul3A_664 = arith.constant 2 : i32
        %mul3A_665 = vector.broadcast %mul3A_664 : i32 to vector<16xi32>
        %mul3A_666 = arith.muli %mul3A_665, %add3A_663 : vector<16xi32>
        %add3A_667 = vector.broadcast %mul3A_562 : i32 to vector<16xi32>
        %add3A_668 = arith.addi %add3A_667, %mul3A_666 : vector<16xi32>
        %swap3A_669 = arith.constant 0 : i32
        %swap3A_670 = arith.index_cast %swap3A_669 : i32 to index
        %swap3A_671 = arith.constant 112 : index
        %swap3A_672 = tpu.vector_load %arg6[%swap3A_670, %swap3A_671] {strides = array<i32>} : memref<4x128xi32, #tpu.memory_space<vmem>>, vector<1x16xi32>,
        %swap3A_673 = vector.shape_cast %swap3A_672 : vector<1x16xi32> to vector<16xi32>
        %swap3A_674 = vector.shape_cast %add3A_668 : vector<16xi32> to vector<1x16xi32>
        tpu.vector_store %arg6[%swap3A_670, %swap3A_671], %swap3A_674 {strides = array<i32>} : memref<4x128xi32, #tpu.memory_space<vmem>>, vector<1x16xi32>,
        %dma_start3A_675 = arith.constant 0 : i32
        %dma_start3A_676 = arith.constant 0 : i32
        %dma_start3A_677 = arith.constant 0 : i32
        %dma_start3A_678 = tpu.memref_slice %arg7[%dma_start3A_675, %dma_start3A_676, %dma_start3A_677] : memref<4x128x64xf32, #tpu.memory_space<vmem>> -> memref<1x128x64xf32, #tpu.memory_space<vmem>>
        %dma_start3A_679 = tpu.memref_squeeze %dma_start3A_678 : memref<1x128x64xf32, #tpu.memory_space<vmem>> -> memref<128x64xf32, #tpu.memory_space<vmem>>
        %dma_start3A_680 = arith.constant 0 : i32
        %dma_start3A_681 = tpu.memref_slice %arg5[%sub3A_445, %dma_start3A_680] : memref<200x128xi32, #tpu.memory_space<vmem>> -> memref<1x128xi32, #tpu.memory_space<vmem>>
        %dma_start3A_682 = tpu.memref_squeeze %dma_start3A_681 : memref<1x128xi32, #tpu.memory_space<vmem>> -> memref<128xi32, #tpu.memory_space<vmem>>
        %dma_start3A_683 = arith.constant 0 : i32
        %dma_start3A_684 = arith.constant 0 : i32
        %dma_start3A_685 = tpu.memref_slice %arg3[%dma_start3A_683, %dma_start3A_684] : memref<1000000x64xf32, #tpu.memory_space<hbm>> -> memref<1000000x64xf32, #tpu.memory_space<hbm>>
        tpu.enqueue_indirect_dma source(%dma_start3A_685 : memref<1000000x64xf32, #tpu.memory_space<hbm>>) target(%dma_start3A_679 : memref<128x64xf32, #tpu.memory_space<vmem>>) offsets(%dma_start3A_682 : memref<128xi32, #tpu.memory_space<vmem>>) semaphore(%arg8 : memref<!tpu.dma_semaphore, #tpu.memory_space<semaphore_mem>>)
      } else {
      }
      %dma_wait3A_456 = arith.constant 1 : i32
      %dma_wait3A_457 = arith.constant 0 : i32
      %dma_wait3A_458 = arith.constant 0 : i32
      %dma_wait3A_459 = tpu.memref_slice %arg7[%dma_wait3A_456, %dma_wait3A_457, %dma_wait3A_458] : memref<4x128x64xf32, #tpu.memory_space<vmem>> -> memref<1x128x64xf32, #tpu.memory_space<vmem>>
      %dma_wait3A_460 = tpu.memref_squeeze %dma_wait3A_459 : memref<1x128x64xf32, #tpu.memory_space<vmem>> -> memref<128x64xf32, #tpu.memory_space<vmem>>
      %dma_wait3A_461 = arith.constant 0 : i32
      %dma_wait3A_462 = tpu.memref_slice %arg5[%add3A_441, %dma_wait3A_461] : memref<200x128xi32, #tpu.memory_space<vmem>> -> memref<1x128xi32, #tpu.memory_space<vmem>>
      %dma_wait3A_463 = tpu.memref_squeeze %dma_wait3A_462 : memref<1x128xi32, #tpu.memory_space<vmem>> -> memref<128xi32, #tpu.memory_space<vmem>>
      %dma_wait3A_464 = arith.constant 0 : i32
      %dma_wait3A_465 = arith.constant 0 : i32
      %dma_wait3A_466 = tpu.memref_slice %arg3[%dma_wait3A_464, %dma_wait3A_465] : memref<1000000x64xf32, #tpu.memory_space<hbm>> -> memref<1000000x64xf32, #tpu.memory_space<hbm>>
      tpu.wait_indirect_dma semaphore(%arg9 : memref<!tpu.dma_semaphore, #tpu.memory_space<semaphore_mem>>) src(%dma_wait3A_466 : memref<1000000x64xf32, #tpu.memory_space<hbm>>) dst(%dma_wait3A_460 : memref<128x64xf32, #tpu.memory_space<vmem>>)
      %dma_start3A_467 = arith.constant 1 : i32
      %dma_start3A_468 = arith.constant 1 : i32
      %dma_start3A_469 = arith.constant 0 : i32
      %dma_start3A_470 = arith.constant 0 : i32
      %dma_start3A_471 = tpu.memref_slice %arg7[%dma_start3A_467, %dma_start3A_469, %dma_start3A_470] : memref<4x128x64xf32, #tpu.memory_space<vmem>> -> memref<1x128x64xf32, #tpu.memory_space<vmem>>
      %dma_start3A_472 = tpu.memref_squeeze %dma_start3A_471 : memref<1x128x64xf32, #tpu.memory_space<vmem>> -> memref<128x64xf32, #tpu.memory_space<vmem>>
      %dma_start3A_473 = arith.constant 0 : i32
      %dma_start3A_474 = tpu.memref_slice %arg6[%dma_start3A_468, %dma_start3A_473] : memref<4x128xi32, #tpu.memory_space<vmem>> -> memref<1x128xi32, #tpu.memory_space<vmem>>
      %dma_start3A_475 = tpu.memref_squeeze %dma_start3A_474 : memref<1x128xi32, #tpu.memory_space<vmem>> -> memref<128xi32, #tpu.memory_space<vmem>>
      %dma_start3A_476 = arith.constant 0 : i32
      %dma_start3A_477 = arith.constant 0 : i32
      %dma_start3A_478 = tpu.memref_slice %arg4[%dma_start3A_476, %dma_start3A_477] : memref<1638400x64xf32, #tpu.memory_space<hbm>> -> memref<1638400x64xf32, #tpu.memory_space<hbm>>
      tpu.enqueue_indirect_dma source(%dma_start3A_472 : memref<128x64xf32, #tpu.memory_space<vmem>>) target(%dma_start3A_478 : memref<1638400x64xf32, #tpu.memory_space<hbm>>) offsets(%dma_start3A_475 : memref<128xi32, #tpu.memory_space<vmem>>) semaphore(%arg13 : memref<!tpu.dma_semaphore, #tpu.memory_space<semaphore_mem>>)
      %add3A_479 = arith.constant 2 : i32
      %add3A_480 = arith.addi %mul3A_405, %add3A_479 : i32
      %add3A_481 = arith.constant 4 : i32
      %add3A_482 = arith.addi %add3A_480, %add3A_481 : i32
      %sub3A_483 = arith.constant 1 : i32
      %sub3A_484 = arith.subi %add3A_482, %sub3A_483 : i32
      %gt3A_485 = arith.constant 0 : i32
      %gt3A_486 = arith.cmpi sgt, %add3A_480, %gt3A_485 : i32
      %convert_element_type3A_487 = arith.extui %gt3A_486 : i1 to i32
      %cond3A_488 = arith.constant 0 : i32
      %cond3A_489 = arith.cmpi ne, %convert_element_type3A_487, %cond3A_488 : i32
      scf.if %cond3A_489 {
        %dma_wait3A_558 = arith.constant 1 : i32
        %dma_wait3A_559 = arith.constant 1 : i32
        %dma_wait3A_560 = arith.constant 0 : i32
        %dma_wait3A_561 = arith.constant 0 : i32
        %dma_wait3A_562 = tpu.memref_slice %arg7[%dma_wait3A_558, %dma_wait3A_560, %dma_wait3A_561] : memref<4x128x64xf32, #tpu.memory_space<vmem>> -> memref<1x128x64xf32, #tpu.memory_space<vmem>>
        %dma_wait3A_563 = tpu.memref_squeeze %dma_wait3A_562 : memref<1x128x64xf32, #tpu.memory_space<vmem>> -> memref<128x64xf32, #tpu.memory_space<vmem>>
        %dma_wait3A_564 = arith.constant 0 : i32
        %dma_wait3A_565 = tpu.memref_slice %arg6[%dma_wait3A_559, %dma_wait3A_564] : memref<4x128xi32, #tpu.memory_space<vmem>> -> memref<1x128xi32, #tpu.memory_space<vmem>>
        %dma_wait3A_566 = tpu.memref_squeeze %dma_wait3A_565 : memref<1x128xi32, #tpu.memory_space<vmem>> -> memref<128xi32, #tpu.memory_space<vmem>>
        %dma_wait3A_567 = arith.constant 0 : i32
        %dma_wait3A_568 = arith.constant 0 : i32
        %dma_wait3A_569 = tpu.memref_slice %arg4[%dma_wait3A_567, %dma_wait3A_568] : memref<1638400x64xf32, #tpu.memory_space<hbm>> -> memref<1638400x64xf32, #tpu.memory_space<hbm>>
        tpu.wait_indirect_dma semaphore(%arg13 : memref<!tpu.dma_semaphore, #tpu.memory_space<semaphore_mem>>) src(%dma_wait3A_563 : memref<128x64xf32, #tpu.memory_space<vmem>>) dst(%dma_wait3A_569 : memref<1638400x64xf32, #tpu.memory_space<hbm>>)
      } else {
      }
      %lt3A_490 = arith.constant 200 : i32
      %lt3A_491 = arith.cmpi slt, %sub3A_484, %lt3A_490 : i32
      %convert_element_type3A_492 = arith.extui %lt3A_491 : i1 to i32
      %cond3A_493 = arith.constant 0 : i32
      %cond3A_494 = arith.cmpi ne, %convert_element_type3A_492, %cond3A_493 : i32
      scf.if %cond3A_494 {
        %mul3A_558 = arith.constant 128 : i32
        %mul3A_559 = arith.muli %sub3A_484, %mul3A_558 : i32
        %add3A_560 = arith.addi %mul3A_2, %mul3A_559 : i32
        %mul3A_561 = arith.constant 2 : i32
        %mul3A_562 = arith.muli %mul3A_561, %add3A_560 : i32
        %add3A_563 = arith.constant 0 : i32
        %add3A_564 = vector.broadcast %add3A_563 : i32 to vector<16xi32>
        %add3A_565 = arith.addi %add3A_564, %iota3A : vector<16xi32>
        %mul3A_566 = arith.constant 2 : i32
        %mul3A_567 = vector.broadcast %mul3A_566 : i32 to vector<16xi32>
        %mul3A_568 = arith.muli %mul3A_567, %add3A_565 : vector<16xi32>
        %add3A_569 = vector.broadcast %mul3A_562 : i32 to vector<16xi32>
        %add3A_570 = arith.addi %add3A_569, %mul3A_568 : vector<16xi32>
        %swap3A_571 = arith.constant 1 : i32
        %swap3A_572 = arith.index_cast %swap3A_571 : i32 to index
        %swap3A_573 = arith.constant 0 : index
        %swap3A_574 = tpu.vector_load %arg6[%swap3A_572, %swap3A_573] {strides = array<i32>} : memref<4x128xi32, #tpu.memory_space<vmem>>, vector<1x16xi32>,
        %swap3A_575 = vector.shape_cast %swap3A_574 : vector<1x16xi32> to vector<16xi32>
        %swap3A_576 = vector.shape_cast %add3A_570 : vector<16xi32> to vector<1x16xi32>
        tpu.vector_store %arg6[%swap3A_572, %swap3A_573], %swap3A_576 {strides = array<i32>} : memref<4x128xi32, #tpu.memory_space<vmem>>, vector<1x16xi32>,
        %add3A_577 = arith.constant 16 : i32
        %add3A_578 = vector.broadcast %add3A_577 : i32 to vector<16xi32>
        %add3A_579 = arith.addi %add3A_578, %iota3A : vector<16xi32>
        %mul3A_580 = arith.constant 2 : i32
        %mul3A_581 = vector.broadcast %mul3A_580 : i32 to vector<16xi32>
        %mul3A_582 = arith.muli %mul3A_581, %add3A_579 : vector<16xi32>
        %add3A_583 = vector.broadcast %mul3A_562 : i32 to vector<16xi32>
        %add3A_584 = arith.addi %add3A_583, %mul3A_582 : vector<16xi32>
        %swap3A_585 = arith.constant 1 : i32
        %swap3A_586 = arith.index_cast %swap3A_585 : i32 to index
        %swap3A_587 = arith.constant 16 : index
        %swap3A_588 = tpu.vector_load %arg6[%swap3A_586, %swap3A_587] {strides = array<i32>} : memref<4x128xi32, #tpu.memory_space<vmem>>, vector<1x16xi32>,
        %swap3A_589 = vector.shape_cast %swap3A_588 : vector<1x16xi32> to vector<16xi32>
        %swap3A_590 = vector.shape_cast %add3A_584 : vector<16xi32> to vector<1x16xi32>
        tpu.vector_store %arg6[%swap3A_586, %swap3A_587], %swap3A_590 {strides = array<i32>} : memref<4x128xi32, #tpu.memory_space<vmem>>, vector<1x16xi32>,
        %add3A_591 = arith.constant 32 : i32
        %add3A_592 = vector.broadcast %add3A_591 : i32 to vector<16xi32>
        %add3A_593 = arith.addi %add3A_592, %iota3A : vector<16xi32>
        %mul3A_594 = arith.constant 2 : i32
        %mul3A_595 = vector.broadcast %mul3A_594 : i32 to vector<16xi32>
        %mul3A_596 = arith.muli %mul3A_595, %add3A_593 : vector<16xi32>
        %add3A_597 = vector.broadcast %mul3A_562 : i32 to vector<16xi32>
        %add3A_598 = arith.addi %add3A_597, %mul3A_596 : vector<16xi32>
        %swap3A_599 = arith.constant 1 : i32
        %swap3A_600 = arith.index_cast %swap3A_599 : i32 to index
        %swap3A_601 = arith.constant 32 : index
        %swap3A_602 = tpu.vector_load %arg6[%swap3A_600, %swap3A_601] {strides = array<i32>} : memref<4x128xi32, #tpu.memory_space<vmem>>, vector<1x16xi32>,
        %swap3A_603 = vector.shape_cast %swap3A_602 : vector<1x16xi32> to vector<16xi32>
        %swap3A_604 = vector.shape_cast %add3A_598 : vector<16xi32> to vector<1x16xi32>
        tpu.vector_store %arg6[%swap3A_600, %swap3A_601], %swap3A_604 {strides = array<i32>} : memref<4x128xi32, #tpu.memory_space<vmem>>, vector<1x16xi32>,
        %add3A_605 = arith.constant 48 : i32
        %add3A_606 = vector.broadcast %add3A_605 : i32 to vector<16xi32>
        %add3A_607 = arith.addi %add3A_606, %iota3A : vector<16xi32>
        %mul3A_608 = arith.constant 2 : i32
        %mul3A_609 = vector.broadcast %mul3A_608 : i32 to vector<16xi32>
        %mul3A_610 = arith.muli %mul3A_609, %add3A_607 : vector<16xi32>
        %add3A_611 = vector.broadcast %mul3A_562 : i32 to vector<16xi32>
        %add3A_612 = arith.addi %add3A_611, %mul3A_610 : vector<16xi32>
        %swap3A_613 = arith.constant 1 : i32
        %swap3A_614 = arith.index_cast %swap3A_613 : i32 to index
        %swap3A_615 = arith.constant 48 : index
        %swap3A_616 = tpu.vector_load %arg6[%swap3A_614, %swap3A_615] {strides = array<i32>} : memref<4x128xi32, #tpu.memory_space<vmem>>, vector<1x16xi32>,
        %swap3A_617 = vector.shape_cast %swap3A_616 : vector<1x16xi32> to vector<16xi32>
        %swap3A_618 = vector.shape_cast %add3A_612 : vector<16xi32> to vector<1x16xi32>
        tpu.vector_store %arg6[%swap3A_614, %swap3A_615], %swap3A_618 {strides = array<i32>} : memref<4x128xi32, #tpu.memory_space<vmem>>, vector<1x16xi32>,
        %add3A_619 = arith.constant 64 : i32
        %add3A_620 = vector.broadcast %add3A_619 : i32 to vector<16xi32>
        %add3A_621 = arith.addi %add3A_620, %iota3A : vector<16xi32>
        %mul3A_622 = arith.constant 2 : i32
        %mul3A_623 = vector.broadcast %mul3A_622 : i32 to vector<16xi32>
        %mul3A_624 = arith.muli %mul3A_623, %add3A_621 : vector<16xi32>
        %add3A_625 = vector.broadcast %mul3A_562 : i32 to vector<16xi32>
        %add3A_626 = arith.addi %add3A_625, %mul3A_624 : vector<16xi32>
        %swap3A_627 = arith.constant 1 : i32
        %swap3A_628 = arith.index_cast %swap3A_627 : i32 to index
        %swap3A_629 = arith.constant 64 : index
        %swap3A_630 = tpu.vector_load %arg6[%swap3A_628, %swap3A_629] {strides = array<i32>} : memref<4x128xi32, #tpu.memory_space<vmem>>, vector<1x16xi32>,
        %swap3A_631 = vector.shape_cast %swap3A_630 : vector<1x16xi32> to vector<16xi32>
        %swap3A_632 = vector.shape_cast %add3A_626 : vector<16xi32> to vector<1x16xi32>
        tpu.vector_store %arg6[%swap3A_628, %swap3A_629], %swap3A_632 {strides = array<i32>} : memref<4x128xi32, #tpu.memory_space<vmem>>, vector<1x16xi32>,
        %add3A_633 = arith.constant 80 : i32
        %add3A_634 = vector.broadcast %add3A_633 : i32 to vector<16xi32>
        %add3A_635 = arith.addi %add3A_634, %iota3A : vector<16xi32>
        %mul3A_636 = arith.constant 2 : i32
        %mul3A_637 = vector.broadcast %mul3A_636 : i32 to vector<16xi32>
        %mul3A_638 = arith.muli %mul3A_637, %add3A_635 : vector<16xi32>
        %add3A_639 = vector.broadcast %mul3A_562 : i32 to vector<16xi32>
        %add3A_640 = arith.addi %add3A_639, %mul3A_638 : vector<16xi32>
        %swap3A_641 = arith.constant 1 : i32
        %swap3A_642 = arith.index_cast %swap3A_641 : i32 to index
        %swap3A_643 = arith.constant 80 : index
        %swap3A_644 = tpu.vector_load %arg6[%swap3A_642, %swap3A_643] {strides = array<i32>} : memref<4x128xi32, #tpu.memory_space<vmem>>, vector<1x16xi32>,
        %swap3A_645 = vector.shape_cast %swap3A_644 : vector<1x16xi32> to vector<16xi32>
        %swap3A_646 = vector.shape_cast %add3A_640 : vector<16xi32> to vector<1x16xi32>
        tpu.vector_store %arg6[%swap3A_642, %swap3A_643], %swap3A_646 {strides = array<i32>} : memref<4x128xi32, #tpu.memory_space<vmem>>, vector<1x16xi32>,
        %add3A_647 = arith.constant 96 : i32
        %add3A_648 = vector.broadcast %add3A_647 : i32 to vector<16xi32>
        %add3A_649 = arith.addi %add3A_648, %iota3A : vector<16xi32>
        %mul3A_650 = arith.constant 2 : i32
        %mul3A_651 = vector.broadcast %mul3A_650 : i32 to vector<16xi32>
        %mul3A_652 = arith.muli %mul3A_651, %add3A_649 : vector<16xi32>
        %add3A_653 = vector.broadcast %mul3A_562 : i32 to vector<16xi32>
        %add3A_654 = arith.addi %add3A_653, %mul3A_652 : vector<16xi32>
        %swap3A_655 = arith.constant 1 : i32
        %swap3A_656 = arith.index_cast %swap3A_655 : i32 to index
        %swap3A_657 = arith.constant 96 : index
        %swap3A_658 = tpu.vector_load %arg6[%swap3A_656, %swap3A_657] {strides = array<i32>} : memref<4x128xi32, #tpu.memory_space<vmem>>, vector<1x16xi32>,
        %swap3A_659 = vector.shape_cast %swap3A_658 : vector<1x16xi32> to vector<16xi32>
        %swap3A_660 = vector.shape_cast %add3A_654 : vector<16xi32> to vector<1x16xi32>
        tpu.vector_store %arg6[%swap3A_656, %swap3A_657], %swap3A_660 {strides = array<i32>} : memref<4x128xi32, #tpu.memory_space<vmem>>, vector<1x16xi32>,
        %add3A_661 = arith.constant 112 : i32
        %add3A_662 = vector.broadcast %add3A_661 : i32 to vector<16xi32>
        %add3A_663 = arith.addi %add3A_662, %iota3A : vector<16xi32>
        %mul3A_664 = arith.constant 2 : i32
        %mul3A_665 = vector.broadcast %mul3A_664 : i32 to vector<16xi32>
        %mul3A_666 = arith.muli %mul3A_665, %add3A_663 : vector<16xi32>
        %add3A_667 = vector.broadcast %mul3A_562 : i32 to vector<16xi32>
        %add3A_668 = arith.addi %add3A_667, %mul3A_666 : vector<16xi32>
        %swap3A_669 = arith.constant 1 : i32
        %swap3A_670 = arith.index_cast %swap3A_669 : i32 to index
        %swap3A_671 = arith.constant 112 : index
        %swap3A_672 = tpu.vector_load %arg6[%swap3A_670, %swap3A_671] {strides = array<i32>} : memref<4x128xi32, #tpu.memory_space<vmem>>, vector<1x16xi32>,
        %swap3A_673 = vector.shape_cast %swap3A_672 : vector<1x16xi32> to vector<16xi32>
        %swap3A_674 = vector.shape_cast %add3A_668 : vector<16xi32> to vector<1x16xi32>
        tpu.vector_store %arg6[%swap3A_670, %swap3A_671], %swap3A_674 {strides = array<i32>} : memref<4x128xi32, #tpu.memory_space<vmem>>, vector<1x16xi32>,
        %dma_start3A_675 = arith.constant 1 : i32
        %dma_start3A_676 = arith.constant 0 : i32
        %dma_start3A_677 = arith.constant 0 : i32
        %dma_start3A_678 = tpu.memref_slice %arg7[%dma_start3A_675, %dma_start3A_676, %dma_start3A_677] : memref<4x128x64xf32, #tpu.memory_space<vmem>> -> memref<1x128x64xf32, #tpu.memory_space<vmem>>
        %dma_start3A_679 = tpu.memref_squeeze %dma_start3A_678 : memref<1x128x64xf32, #tpu.memory_space<vmem>> -> memref<128x64xf32, #tpu.memory_space<vmem>>
        %dma_start3A_680 = arith.constant 0 : i32
        %dma_start3A_681 = tpu.memref_slice %arg5[%sub3A_484, %dma_start3A_680] : memref<200x128xi32, #tpu.memory_space<vmem>> -> memref<1x128xi32, #tpu.memory_space<vmem>>
        %dma_start3A_682 = tpu.memref_squeeze %dma_start3A_681 : memref<1x128xi32, #tpu.memory_space<vmem>> -> memref<128xi32, #tpu.memory_space<vmem>>
        %dma_start3A_683 = arith.constant 0 : i32
        %dma_start3A_684 = arith.constant 0 : i32
        %dma_start3A_685 = tpu.memref_slice %arg3[%dma_start3A_683, %dma_start3A_684] : memref<1000000x64xf32, #tpu.memory_space<hbm>> -> memref<1000000x64xf32, #tpu.memory_space<hbm>>
        tpu.enqueue_indirect_dma source(%dma_start3A_685 : memref<1000000x64xf32, #tpu.memory_space<hbm>>) target(%dma_start3A_679 : memref<128x64xf32, #tpu.memory_space<vmem>>) offsets(%dma_start3A_682 : memref<128xi32, #tpu.memory_space<vmem>>) semaphore(%arg9 : memref<!tpu.dma_semaphore, #tpu.memory_space<semaphore_mem>>)
      } else {
      }
      %dma_wait3A_495 = arith.constant 2 : i32
      %dma_wait3A_496 = arith.constant 0 : i32
      %dma_wait3A_497 = arith.constant 0 : i32
      %dma_wait3A_498 = tpu.memref_slice %arg7[%dma_wait3A_495, %dma_wait3A_496, %dma_wait3A_497] : memref<4x128x64xf32, #tpu.memory_space<vmem>> -> memref<1x128x64xf32, #tpu.memory_space<vmem>>
      %dma_wait3A_499 = tpu.memref_squeeze %dma_wait3A_498 : memref<1x128x64xf32, #tpu.memory_space<vmem>> -> memref<128x64xf32, #tpu.memory_space<vmem>>
      %dma_wait3A_500 = arith.constant 0 : i32
      %dma_wait3A_501 = tpu.memref_slice %arg5[%add3A_480, %dma_wait3A_500] : memref<200x128xi32, #tpu.memory_space<vmem>> -> memref<1x128xi32, #tpu.memory_space<vmem>>
      %dma_wait3A_502 = tpu.memref_squeeze %dma_wait3A_501 : memref<1x128xi32, #tpu.memory_space<vmem>> -> memref<128xi32, #tpu.memory_space<vmem>>
      %dma_wait3A_503 = arith.constant 0 : i32
      %dma_wait3A_504 = arith.constant 0 : i32
      %dma_wait3A_505 = tpu.memref_slice %arg3[%dma_wait3A_503, %dma_wait3A_504] : memref<1000000x64xf32, #tpu.memory_space<hbm>> -> memref<1000000x64xf32, #tpu.memory_space<hbm>>
      tpu.wait_indirect_dma semaphore(%arg10 : memref<!tpu.dma_semaphore, #tpu.memory_space<semaphore_mem>>) src(%dma_wait3A_505 : memref<1000000x64xf32, #tpu.memory_space<hbm>>) dst(%dma_wait3A_499 : memref<128x64xf32, #tpu.memory_space<vmem>>)
      %dma_start3A_506 = arith.constant 2 : i32
      %dma_start3A_507 = arith.constant 2 : i32
      %dma_start3A_508 = arith.constant 0 : i32
      %dma_start3A_509 = arith.constant 0 : i32
      %dma_start3A_510 = tpu.memref_slice %arg7[%dma_start3A_506, %dma_start3A_508, %dma_start3A_509] : memref<4x128x64xf32, #tpu.memory_space<vmem>> -> memref<1x128x64xf32, #tpu.memory_space<vmem>>
      %dma_start3A_511 = tpu.memref_squeeze %dma_start3A_510 : memref<1x128x64xf32, #tpu.memory_space<vmem>> -> memref<128x64xf32, #tpu.memory_space<vmem>>
      %dma_start3A_512 = arith.constant 0 : i32
      %dma_start3A_513 = tpu.memref_slice %arg6[%dma_start3A_507, %dma_start3A_512] : memref<4x128xi32, #tpu.memory_space<vmem>> -> memref<1x128xi32, #tpu.memory_space<vmem>>
      %dma_start3A_514 = tpu.memref_squeeze %dma_start3A_513 : memref<1x128xi32, #tpu.memory_space<vmem>> -> memref<128xi32, #tpu.memory_space<vmem>>
      %dma_start3A_515 = arith.constant 0 : i32
      %dma_start3A_516 = arith.constant 0 : i32
      %dma_start3A_517 = tpu.memref_slice %arg4[%dma_start3A_515, %dma_start3A_516] : memref<1638400x64xf32, #tpu.memory_space<hbm>> -> memref<1638400x64xf32, #tpu.memory_space<hbm>>
      tpu.enqueue_indirect_dma source(%dma_start3A_511 : memref<128x64xf32, #tpu.memory_space<vmem>>) target(%dma_start3A_517 : memref<1638400x64xf32, #tpu.memory_space<hbm>>) offsets(%dma_start3A_514 : memref<128xi32, #tpu.memory_space<vmem>>) semaphore(%arg14 : memref<!tpu.dma_semaphore, #tpu.memory_space<semaphore_mem>>)
      %add3A_518 = arith.constant 3 : i32
      %add3A_519 = arith.addi %mul3A_405, %add3A_518 : i32
      %add3A_520 = arith.constant 4 : i32
      %add3A_521 = arith.addi %add3A_519, %add3A_520 : i32
      %sub3A_522 = arith.constant 1 : i32
      %sub3A_523 = arith.subi %add3A_521, %sub3A_522 : i32
      %gt3A_524 = arith.constant 0 : i32
      %gt3A_525 = arith.cmpi sgt, %add3A_519, %gt3A_524 : i32
      %convert_element_type3A_526 = arith.extui %gt3A_525 : i1 to i32
      %cond3A_527 = arith.constant 0 : i32
      %cond3A_528 = arith.cmpi ne, %convert_element_type3A_526, %cond3A_527 : i32
      scf.if %cond3A_528 {
        %dma_wait3A_558 = arith.constant 2 : i32
        %dma_wait3A_559 = arith.constant 2 : i32
        %dma_wait3A_560 = arith.constant 0 : i32
        %dma_wait3A_561 = arith.constant 0 : i32
        %dma_wait3A_562 = tpu.memref_slice %arg7[%dma_wait3A_558, %dma_wait3A_560, %dma_wait3A_561] : memref<4x128x64xf32, #tpu.memory_space<vmem>> -> memref<1x128x64xf32, #tpu.memory_space<vmem>>
        %dma_wait3A_563 = tpu.memref_squeeze %dma_wait3A_562 : memref<1x128x64xf32, #tpu.memory_space<vmem>> -> memref<128x64xf32, #tpu.memory_space<vmem>>
        %dma_wait3A_564 = arith.constant 0 : i32
        %dma_wait3A_565 = tpu.memref_slice %arg6[%dma_wait3A_559, %dma_wait3A_564] : memref<4x128xi32, #tpu.memory_space<vmem>> -> memref<1x128xi32, #tpu.memory_space<vmem>>
        %dma_wait3A_566 = tpu.memref_squeeze %dma_wait3A_565 : memref<1x128xi32, #tpu.memory_space<vmem>> -> memref<128xi32, #tpu.memory_space<vmem>>
        %dma_wait3A_567 = arith.constant 0 : i32
        %dma_wait3A_568 = arith.constant 0 : i32
        %dma_wait3A_569 = tpu.memref_slice %arg4[%dma_wait3A_567, %dma_wait3A_568] : memref<1638400x64xf32, #tpu.memory_space<hbm>> -> memref<1638400x64xf32, #tpu.memory_space<hbm>>
        tpu.wait_indirect_dma semaphore(%arg14 : memref<!tpu.dma_semaphore, #tpu.memory_space<semaphore_mem>>) src(%dma_wait3A_563 : memref<128x64xf32, #tpu.memory_space<vmem>>) dst(%dma_wait3A_569 : memref<1638400x64xf32, #tpu.memory_space<hbm>>)
      } else {
      }
      %lt3A_529 = arith.constant 200 : i32
      %lt3A_530 = arith.cmpi slt, %sub3A_523, %lt3A_529 : i32
      %convert_element_type3A_531 = arith.extui %lt3A_530 : i1 to i32
      %cond3A_532 = arith.constant 0 : i32
      %cond3A_533 = arith.cmpi ne, %convert_element_type3A_531, %cond3A_532 : i32
      scf.if %cond3A_533 {
        %mul3A_558 = arith.constant 128 : i32
        %mul3A_559 = arith.muli %sub3A_523, %mul3A_558 : i32
        %add3A_560 = arith.addi %mul3A_2, %mul3A_559 : i32
        %mul3A_561 = arith.constant 2 : i32
        %mul3A_562 = arith.muli %mul3A_561, %add3A_560 : i32
        %add3A_563 = arith.constant 0 : i32
        %add3A_564 = vector.broadcast %add3A_563 : i32 to vector<16xi32>
        %add3A_565 = arith.addi %add3A_564, %iota3A : vector<16xi32>
        %mul3A_566 = arith.constant 2 : i32
        %mul3A_567 = vector.broadcast %mul3A_566 : i32 to vector<16xi32>
        %mul3A_568 = arith.muli %mul3A_567, %add3A_565 : vector<16xi32>
        %add3A_569 = vector.broadcast %mul3A_562 : i32 to vector<16xi32>
        %add3A_570 = arith.addi %add3A_569, %mul3A_568 : vector<16xi32>
        %swap3A_571 = arith.constant 2 : i32
        %swap3A_572 = arith.index_cast %swap3A_571 : i32 to index
        %swap3A_573 = arith.constant 0 : index
        %swap3A_574 = tpu.vector_load %arg6[%swap3A_572, %swap3A_573] {strides = array<i32>} : memref<4x128xi32, #tpu.memory_space<vmem>>, vector<1x16xi32>,
        %swap3A_575 = vector.shape_cast %swap3A_574 : vector<1x16xi32> to vector<16xi32>
        %swap3A_576 = vector.shape_cast %add3A_570 : vector<16xi32> to vector<1x16xi32>
        tpu.vector_store %arg6[%swap3A_572, %swap3A_573], %swap3A_576 {strides = array<i32>} : memref<4x128xi32, #tpu.memory_space<vmem>>, vector<1x16xi32>,
        %add3A_577 = arith.constant 16 : i32
        %add3A_578 = vector.broadcast %add3A_577 : i32 to vector<16xi32>
        %add3A_579 = arith.addi %add3A_578, %iota3A : vector<16xi32>
        %mul3A_580 = arith.constant 2 : i32
        %mul3A_581 = vector.broadcast %mul3A_580 : i32 to vector<16xi32>
        %mul3A_582 = arith.muli %mul3A_581, %add3A_579 : vector<16xi32>
        %add3A_583 = vector.broadcast %mul3A_562 : i32 to vector<16xi32>
        %add3A_584 = arith.addi %add3A_583, %mul3A_582 : vector<16xi32>
        %swap3A_585 = arith.constant 2 : i32
        %swap3A_586 = arith.index_cast %swap3A_585 : i32 to index
        %swap3A_587 = arith.constant 16 : index
        %swap3A_588 = tpu.vector_load %arg6[%swap3A_586, %swap3A_587] {strides = array<i32>} : memref<4x128xi32, #tpu.memory_space<vmem>>, vector<1x16xi32>,
        %swap3A_589 = vector.shape_cast %swap3A_588 : vector<1x16xi32> to vector<16xi32>
        %swap3A_590 = vector.shape_cast %add3A_584 : vector<16xi32> to vector<1x16xi32>
        tpu.vector_store %arg6[%swap3A_586, %swap3A_587], %swap3A_590 {strides = array<i32>} : memref<4x128xi32, #tpu.memory_space<vmem>>, vector<1x16xi32>,
        %add3A_591 = arith.constant 32 : i32
        %add3A_592 = vector.broadcast %add3A_591 : i32 to vector<16xi32>
        %add3A_593 = arith.addi %add3A_592, %iota3A : vector<16xi32>
        %mul3A_594 = arith.constant 2 : i32
        %mul3A_595 = vector.broadcast %mul3A_594 : i32 to vector<16xi32>
        %mul3A_596 = arith.muli %mul3A_595, %add3A_593 : vector<16xi32>
        %add3A_597 = vector.broadcast %mul3A_562 : i32 to vector<16xi32>
        %add3A_598 = arith.addi %add3A_597, %mul3A_596 : vector<16xi32>
        %swap3A_599 = arith.constant 2 : i32
        %swap3A_600 = arith.index_cast %swap3A_599 : i32 to index
        %swap3A_601 = arith.constant 32 : index
        %swap3A_602 = tpu.vector_load %arg6[%swap3A_600, %swap3A_601] {strides = array<i32>} : memref<4x128xi32, #tpu.memory_space<vmem>>, vector<1x16xi32>,
        %swap3A_603 = vector.shape_cast %swap3A_602 : vector<1x16xi32> to vector<16xi32>
        %swap3A_604 = vector.shape_cast %add3A_598 : vector<16xi32> to vector<1x16xi32>
        tpu.vector_store %arg6[%swap3A_600, %swap3A_601], %swap3A_604 {strides = array<i32>} : memref<4x128xi32, #tpu.memory_space<vmem>>, vector<1x16xi32>,
        %add3A_605 = arith.constant 48 : i32
        %add3A_606 = vector.broadcast %add3A_605 : i32 to vector<16xi32>
        %add3A_607 = arith.addi %add3A_606, %iota3A : vector<16xi32>
        %mul3A_608 = arith.constant 2 : i32
        %mul3A_609 = vector.broadcast %mul3A_608 : i32 to vector<16xi32>
        %mul3A_610 = arith.muli %mul3A_609, %add3A_607 : vector<16xi32>
        %add3A_611 = vector.broadcast %mul3A_562 : i32 to vector<16xi32>
        %add3A_612 = arith.addi %add3A_611, %mul3A_610 : vector<16xi32>
        %swap3A_613 = arith.constant 2 : i32
        %swap3A_614 = arith.index_cast %swap3A_613 : i32 to index
        %swap3A_615 = arith.constant 48 : index
        %swap3A_616 = tpu.vector_load %arg6[%swap3A_614, %swap3A_615] {strides = array<i32>} : memref<4x128xi32, #tpu.memory_space<vmem>>, vector<1x16xi32>,
        %swap3A_617 = vector.shape_cast %swap3A_616 : vector<1x16xi32> to vector<16xi32>
        %swap3A_618 = vector.shape_cast %add3A_612 : vector<16xi32> to vector<1x16xi32>
        tpu.vector_store %arg6[%swap3A_614, %swap3A_615], %swap3A_618 {strides = array<i32>} : memref<4x128xi32, #tpu.memory_space<vmem>>, vector<1x16xi32>,
        %add3A_619 = arith.constant 64 : i32
        %add3A_620 = vector.broadcast %add3A_619 : i32 to vector<16xi32>
        %add3A_621 = arith.addi %add3A_620, %iota3A : vector<16xi32>
        %mul3A_622 = arith.constant 2 : i32
        %mul3A_623 = vector.broadcast %mul3A_622 : i32 to vector<16xi32>
        %mul3A_624 = arith.muli %mul3A_623, %add3A_621 : vector<16xi32>
        %add3A_625 = vector.broadcast %mul3A_562 : i32 to vector<16xi32>
        %add3A_626 = arith.addi %add3A_625, %mul3A_624 : vector<16xi32>
        %swap3A_627 = arith.constant 2 : i32
        %swap3A_628 = arith.index_cast %swap3A_627 : i32 to index
        %swap3A_629 = arith.constant 64 : index
        %swap3A_630 = tpu.vector_load %arg6[%swap3A_628, %swap3A_629] {strides = array<i32>} : memref<4x128xi32, #tpu.memory_space<vmem>>, vector<1x16xi32>,
        %swap3A_631 = vector.shape_cast %swap3A_630 : vector<1x16xi32> to vector<16xi32>
        %swap3A_632 = vector.shape_cast %add3A_626 : vector<16xi32> to vector<1x16xi32>
        tpu.vector_store %arg6[%swap3A_628, %swap3A_629], %swap3A_632 {strides = array<i32>} : memref<4x128xi32, #tpu.memory_space<vmem>>, vector<1x16xi32>,
        %add3A_633 = arith.constant 80 : i32
        %add3A_634 = vector.broadcast %add3A_633 : i32 to vector<16xi32>
        %add3A_635 = arith.addi %add3A_634, %iota3A : vector<16xi32>
        %mul3A_636 = arith.constant 2 : i32
        %mul3A_637 = vector.broadcast %mul3A_636 : i32 to vector<16xi32>
        %mul3A_638 = arith.muli %mul3A_637, %add3A_635 : vector<16xi32>
        %add3A_639 = vector.broadcast %mul3A_562 : i32 to vector<16xi32>
        %add3A_640 = arith.addi %add3A_639, %mul3A_638 : vector<16xi32>
        %swap3A_641 = arith.constant 2 : i32
        %swap3A_642 = arith.index_cast %swap3A_641 : i32 to index
        %swap3A_643 = arith.constant 80 : index
        %swap3A_644 = tpu.vector_load %arg6[%swap3A_642, %swap3A_643] {strides = array<i32>} : memref<4x128xi32, #tpu.memory_space<vmem>>, vector<1x16xi32>,
        %swap3A_645 = vector.shape_cast %swap3A_644 : vector<1x16xi32> to vector<16xi32>
        %swap3A_646 = vector.shape_cast %add3A_640 : vector<16xi32> to vector<1x16xi32>
        tpu.vector_store %arg6[%swap3A_642, %swap3A_643], %swap3A_646 {strides = array<i32>} : memref<4x128xi32, #tpu.memory_space<vmem>>, vector<1x16xi32>,
        %add3A_647 = arith.constant 96 : i32
        %add3A_648 = vector.broadcast %add3A_647 : i32 to vector<16xi32>
        %add3A_649 = arith.addi %add3A_648, %iota3A : vector<16xi32>
        %mul3A_650 = arith.constant 2 : i32
        %mul3A_651 = vector.broadcast %mul3A_650 : i32 to vector<16xi32>
        %mul3A_652 = arith.muli %mul3A_651, %add3A_649 : vector<16xi32>
        %add3A_653 = vector.broadcast %mul3A_562 : i32 to vector<16xi32>
        %add3A_654 = arith.addi %add3A_653, %mul3A_652 : vector<16xi32>
        %swap3A_655 = arith.constant 2 : i32
        %swap3A_656 = arith.index_cast %swap3A_655 : i32 to index
        %swap3A_657 = arith.constant 96 : index
        %swap3A_658 = tpu.vector_load %arg6[%swap3A_656, %swap3A_657] {strides = array<i32>} : memref<4x128xi32, #tpu.memory_space<vmem>>, vector<1x16xi32>,
        %swap3A_659 = vector.shape_cast %swap3A_658 : vector<1x16xi32> to vector<16xi32>
        %swap3A_660 = vector.shape_cast %add3A_654 : vector<16xi32> to vector<1x16xi32>
        tpu.vector_store %arg6[%swap3A_656, %swap3A_657], %swap3A_660 {strides = array<i32>} : memref<4x128xi32, #tpu.memory_space<vmem>>, vector<1x16xi32>,
        %add3A_661 = arith.constant 112 : i32
        %add3A_662 = vector.broadcast %add3A_661 : i32 to vector<16xi32>
        %add3A_663 = arith.addi %add3A_662, %iota3A : vector<16xi32>
        %mul3A_664 = arith.constant 2 : i32
        %mul3A_665 = vector.broadcast %mul3A_664 : i32 to vector<16xi32>
        %mul3A_666 = arith.muli %mul3A_665, %add3A_663 : vector<16xi32>
        %add3A_667 = vector.broadcast %mul3A_562 : i32 to vector<16xi32>
        %add3A_668 = arith.addi %add3A_667, %mul3A_666 : vector<16xi32>
        %swap3A_669 = arith.constant 2 : i32
        %swap3A_670 = arith.index_cast %swap3A_669 : i32 to index
        %swap3A_671 = arith.constant 112 : index
        %swap3A_672 = tpu.vector_load %arg6[%swap3A_670, %swap3A_671] {strides = array<i32>} : memref<4x128xi32, #tpu.memory_space<vmem>>, vector<1x16xi32>,
        %swap3A_673 = vector.shape_cast %swap3A_672 : vector<1x16xi32> to vector<16xi32>
        %swap3A_674 = vector.shape_cast %add3A_668 : vector<16xi32> to vector<1x16xi32>
        tpu.vector_store %arg6[%swap3A_670, %swap3A_671], %swap3A_674 {strides = array<i32>} : memref<4x128xi32, #tpu.memory_space<vmem>>, vector<1x16xi32>,
        %dma_start3A_675 = arith.constant 2 : i32
        %dma_start3A_676 = arith.constant 0 : i32
        %dma_start3A_677 = arith.constant 0 : i32
        %dma_start3A_678 = tpu.memref_slice %arg7[%dma_start3A_675, %dma_start3A_676, %dma_start3A_677] : memref<4x128x64xf32, #tpu.memory_space<vmem>> -> memref<1x128x64xf32, #tpu.memory_space<vmem>>
        %dma_start3A_679 = tpu.memref_squeeze %dma_start3A_678 : memref<1x128x64xf32, #tpu.memory_space<vmem>> -> memref<128x64xf32, #tpu.memory_space<vmem>>
        %dma_start3A_680 = arith.constant 0 : i32
        %dma_start3A_681 = tpu.memref_slice %arg5[%sub3A_523, %dma_start3A_680] : memref<200x128xi32, #tpu.memory_space<vmem>> -> memref<1x128xi32, #tpu.memory_space<vmem>>
        %dma_start3A_682 = tpu.memref_squeeze %dma_start3A_681 : memref<1x128xi32, #tpu.memory_space<vmem>> -> memref<128xi32, #tpu.memory_space<vmem>>
        %dma_start3A_683 = arith.constant 0 : i32
        %dma_start3A_684 = arith.constant 0 : i32
        %dma_start3A_685 = tpu.memref_slice %arg3[%dma_start3A_683, %dma_start3A_684] : memref<1000000x64xf32, #tpu.memory_space<hbm>> -> memref<1000000x64xf32, #tpu.memory_space<hbm>>
        tpu.enqueue_indirect_dma source(%dma_start3A_685 : memref<1000000x64xf32, #tpu.memory_space<hbm>>) target(%dma_start3A_679 : memref<128x64xf32, #tpu.memory_space<vmem>>) offsets(%dma_start3A_682 : memref<128xi32, #tpu.memory_space<vmem>>) semaphore(%arg10 : memref<!tpu.dma_semaphore, #tpu.memory_space<semaphore_mem>>)
      } else {
      }
      %dma_wait3A_534 = arith.constant 3 : i32
      %dma_wait3A_535 = arith.constant 0 : i32
      %dma_wait3A_536 = arith.constant 0 : i32
      %dma_wait3A_537 = tpu.memref_slice %arg7[%dma_wait3A_534, %dma_wait3A_535, %dma_wait3A_536] : memref<4x128x64xf32, #tpu.memory_space<vmem>> -> memref<1x128x64xf32, #tpu.memory_space<vmem>>
      %dma_wait3A_538 = tpu.memref_squeeze %dma_wait3A_537 : memref<1x128x64xf32, #tpu.memory_space<vmem>> -> memref<128x64xf32, #tpu.memory_space<vmem>>
      %dma_wait3A_539 = arith.constant 0 : i32
      %dma_wait3A_540 = tpu.memref_slice %arg5[%add3A_519, %dma_wait3A_539] : memref<200x128xi32, #tpu.memory_space<vmem>> -> memref<1x128xi32, #tpu.memory_space<vmem>>
      %dma_wait3A_541 = tpu.memref_squeeze %dma_wait3A_540 : memref<1x128xi32, #tpu.memory_space<vmem>> -> memref<128xi32, #tpu.memory_space<vmem>>
      %dma_wait3A_542 = arith.constant 0 : i32
      %dma_wait3A_543 = arith.constant 0 : i32
      %dma_wait3A_544 = tpu.memref_slice %arg3[%dma_wait3A_542, %dma_wait3A_543] : memref<1000000x64xf32, #tpu.memory_space<hbm>> -> memref<1000000x64xf32, #tpu.memory_space<hbm>>
      tpu.wait_indirect_dma semaphore(%arg11 : memref<!tpu.dma_semaphore, #tpu.memory_space<semaphore_mem>>) src(%dma_wait3A_544 : memref<1000000x64xf32, #tpu.memory_space<hbm>>) dst(%dma_wait3A_538 : memref<128x64xf32, #tpu.memory_space<vmem>>)
      %dma_start3A_545 = arith.constant 3 : i32
      %dma_start3A_546 = arith.constant 3 : i32
      %dma_start3A_547 = arith.constant 0 : i32
      %dma_start3A_548 = arith.constant 0 : i32
      %dma_start3A_549 = tpu.memref_slice %arg7[%dma_start3A_545, %dma_start3A_547, %dma_start3A_548] : memref<4x128x64xf32, #tpu.memory_space<vmem>> -> memref<1x128x64xf32, #tpu.memory_space<vmem>>
      %dma_start3A_550 = tpu.memref_squeeze %dma_start3A_549 : memref<1x128x64xf32, #tpu.memory_space<vmem>> -> memref<128x64xf32, #tpu.memory_space<vmem>>
      %dma_start3A_551 = arith.constant 0 : i32
      %dma_start3A_552 = tpu.memref_slice %arg6[%dma_start3A_546, %dma_start3A_551] : memref<4x128xi32, #tpu.memory_space<vmem>> -> memref<1x128xi32, #tpu.memory_space<vmem>>
      %dma_start3A_553 = tpu.memref_squeeze %dma_start3A_552 : memref<1x128xi32, #tpu.memory_space<vmem>> -> memref<128xi32, #tpu.memory_space<vmem>>
      %dma_start3A_554 = arith.constant 0 : i32
      %dma_start3A_555 = arith.constant 0 : i32
      %dma_start3A_556 = tpu.memref_slice %arg4[%dma_start3A_554, %dma_start3A_555] : memref<1638400x64xf32, #tpu.memory_space<hbm>> -> memref<1638400x64xf32, #tpu.memory_space<hbm>>
      tpu.enqueue_indirect_dma source(%dma_start3A_550 : memref<128x64xf32, #tpu.memory_space<vmem>>) target(%dma_start3A_556 : memref<1638400x64xf32, #tpu.memory_space<hbm>>) offsets(%dma_start3A_553 : memref<128xi32, #tpu.memory_space<vmem>>) semaphore(%arg15 : memref<!tpu.dma_semaphore, #tpu.memory_space<semaphore_mem>>)
      %scan3A_557 = arith.constant 0 : i32
      scf.yield %scan3A_557 : i32
    }
    %scan3A_390 = arith.constant 50 : i32
    %dma_wait3A = arith.constant 3 : i32
    %dma_wait3A_391 = arith.constant 3 : i32
    %dma_wait3A_392 = arith.constant 0 : i32
    %dma_wait3A_393 = arith.constant 0 : i32
    %dma_wait3A_394 = tpu.memref_slice %arg7[%dma_wait3A, %dma_wait3A_392, %dma_wait3A_393] : memref<4x128x64xf32, #tpu.memory_space<vmem>> -> memref<1x128x64xf32, #tpu.memory_space<vmem>>
    %dma_wait3A_395 = tpu.memref_squeeze %dma_wait3A_394 : memref<1x128x64xf32, #tpu.memory_space<vmem>> -> memref<128x64xf32, #tpu.memory_space<vmem>>
    %dma_wait3A_396 = arith.constant 0 : i32
    %dma_wait3A_397 = tpu.memref_slice %arg6[%dma_wait3A_391, %dma_wait3A_396] : memref<4x128xi32, #tpu.memory_space<vmem>> -> memref<1x128xi32, #tpu.memory_space<vmem>>
    %dma_wait3A_398 = tpu.memref_squeeze %dma_wait3A_397 : memref<1x128xi32, #tpu.memory_space<vmem>> -> memref<128xi32, #tpu.memory_space<vmem>>
    %dma_wait3A_399 = arith.constant 0 : i32
    %dma_wait3A_400 = arith.constant 0 : i32
    %dma_wait3A_401 = tpu.memref_slice %arg4[%dma_wait3A_399, %dma_wait3A_400] : memref<1638400x64xf32, #tpu.memory_space<hbm>> -> memref<1638400x64xf32, #tpu.memory_space<hbm>>
    tpu.wait_indirect_dma semaphore(%arg15 : memref<!tpu.dma_semaphore, #tpu.memory_space<semaphore_mem>>) src(%dma_wait3A_395 : memref<128x64xf32, #tpu.memory_space<vmem>>) dst(%dma_wait3A_401 : memref<1638400x64xf32, #tpu.memory_space<hbm>>)
    return
  }
}

</mosaic_0001>

<sc_bundles>
// kernel: _embedding_lookup.3.cloned.1.call-start
scs
__scs_entry_jumppad:
0x0: {  	(pc) =	sbr.rel $0x88, $3  }
0x1: {  	(tag) =	ssettag $0x0;
	lr =	simm.s32 $0x1  }
0x2: {  	[smem:$0x3F9F] =	sst lr;
	_ =	strace $0xD0000000  }
0x3: {  	_ = 	snop  }
0x4: {  	_ = 	snop  }
0x5: {  	_ = 	snop  }
0x6: {  	_ = 	snop  }
0x7: {  	_ = 	snop  }
__scs_overlays_trampoline_lowered:
0x8: {  	[smem:$0x3FAE] =	sst s0  }
0x9: {  	[smem:$0x3FAF] =	sst s1  }
0xa: {  	[smem:$0x3FB0] =	sst s2  }
0xb: {  	[smem:$0x3FB1] =	sst s3  }
0xc: {  	[smem:$0x3FB2] =	sst s4  }
0xd: {  	[smem:$0x3FB3] =	sst s5  }
0xe: {  	[smem:$0x3FB4] =	sst s6  }
0xf: {  	[smem:$0x3FB5] =	sst s7  }
0x10: {  	[smem:$0x3FB6] =	sst s8  }
0x11: {  	[smem:$0x3FB7] =	sst s9;
	s0 =	simm.s32 @!p0 $0x0  }
0x12: {  	s1 =	sld [smem:$0x3F9D];
	s0 =	simm.s32 @p0 $0x1  }
0x13: {  	[smem:$0x3FB8] =	sst s0;
	s0 =	simm.s32 @!p1 $0x0  }
0x14: {  	s2 =	sld [smem:$0x3F9C];
	s0 =	simm.s32 @p1 $0x1  }
0x15: {  	[smem:$0x3FB9] =	sst s0;
	s0 =	simm.s32 @!p2 $0x0  }
0x16: {  	s3 =	sld [smem:$0x3FDB];
	s0 =	simm.s32 @p2 $0x1  }
0x17: {  	s4 =	simm.s32 $0x1BF5;
	[smem:$0x3FBB] =	sst s0  }
0x18: {  	s0 =	sld [smem:$0x3F9E];
	_ =	swait.ge [sflag:s4], $0x0  }
0x19: {  	s7 =	sld [smem:$0x3F9F]  }
0x1a: {  	s8 =	sadd.s32 $0xFFFFE003, lr  }
0x1b: {  	s9 =	sadd.s32 $0xFFFFFEF7, lr;
	s5 =	simm.s32 $0xFFFFFFFF;
	p2 =	slt.u32 s8, $0xFFFFF086  }
0x1c: {  	p1 =	slt.u32 s9, $0xF7A;
	s5 =	simm.s32 @!p2 $0x0  }
0x1d: {  	s5 =	simm.s32 @p1 $0x1;
	p0 =	seq.s32 s7, s2  }
0x1e: {  	s7 =	smul.u32 @!p0 $0xF7A, s2;
	p2 =	seq.s32 @!p0 s5, $0x0  }
0x1f: {  	s9 =	smul.u32 $0xF7A, s1;
	s8 =	simm.s32 @!p0 $0x1BF5;
	p2 =	por !p2, p0  }
0x20: {  	[sflag:s8] =	ssyncset.s32 @!p0 $0xFFFFF086;
	s6 =	sadd.s32 @!p0 s3, s7;
	s7 =	simm.s32 @!p0 $0x108  }
0x21: {  	s3 =	sadd.s32 s3, s9;
	s6 =	sadd.s32 @!p0 $0x88, s6;
	s7 =	simm.s32 @p2 $0x1082  }
0x22: {  	[simem:s7], [sflag:s8] =	dma.local @!p0 [hbm:s6], $0xF7A  }
0x23: {  	s9 =	sor.u32 $0xD0000000, s2;
	s6 =	simm.s32 $0x108;
	_ =	swait.ge @!p0 [sflag:s8], $0x0  }
0x24: {  	s3 =	sadd.s32 $0x88, s3;
	s6 =	simm.s32 @!p1 $0x1082;
	[sflag:s4] =	ssyncset.s32 $0xFFFFF086  }
0x25: {  	[simem:s6], [sflag:s4] =	dma.local [hbm:s3], $0xF7A  }
0x26: {  	[smem:$0x3F9F] =	sst s1;
	(tag) =	ssettag s2;
	_ =	strace s9  }
0x27: {  	s1 =	sld [smem:$0x3FAF]  }
0x28: {  	s2 =	sld [smem:$0x3FB0]  }
0x29: {  	s4 =	sld [smem:$0x3FB2]  }
0x2a: {  	p0 =	seq.s32 s5, $0x0;
	s5 =	sld [smem:$0x3FB3]  }
0x2b: {  	s6 =	sld [smem:$0x3FB4]  }
0x2c: {  	s7 =	sld [smem:$0x3FB5]  }
0x2d: {  	s3 =	simm.s32 $0x108;
	s8 =	sld [smem:$0x3FB6]  }
0x2e: {  	s3 =	simm.s32 @!p0 $0x1082;
	s9 =	sld [smem:$0x3FB7]  }
0x2f: {  	lr =	sadd.s32 s0, s3;
	s0 =	sld [smem:$0x3FAE]  }
0x30: {  	s3 =	sld [smem:$0x3FB1]  }
0x31: {  	[smem:$0x3FBA] =	sst s10  }
0x32: {  	s10 =	sld [smem:$0x3FB8];
	_ =	sdelay $0x3  }
0x33: {  	p0 =	seq.s32 s10, $0x1;
	s10 =	sld [smem:$0x3FBA];
	_ =	sdelay $0x3  }
0x34: {  	[smem:$0x3FBA] =	sst s10  }
0x35: {  	s10 =	sld [smem:$0x3FB9];
	_ =	sdelay $0x3  }
0x36: {  	p1 =	seq.s32 s10, $0x1;
	s10 =	sld [smem:$0x3FBA];
	_ =	sdelay $0x3  }
0x37: {  	[smem:$0x3FBA] =	sst s10  }
0x38: {  	s10 =	sld [smem:$0x3FBB]  }
0x39: {  	_ = 	snop;
	(pc) =	sbr.ind lr, $3  }
0x3a: {  	_ = 	snop  }
0x3b: {  	_ = 	snop  }
0x3c: {  	p2 =	seq.s32 s10, $0x1;
	s10 =	sld [smem:$0x3FBA]  }
0x3d: {  	_ =	shalt  }
0x3e: {  	_ =	shalt  }
0x3f: {  	_ =	shalt  }
0x40: {  	_ =	shalt  }
0x41: {  	_ =	shalt  }
0x42: {  	_ =	shalt  }
0x43: {  	_ =	shalt  }
0x44: {  	_ =	shalt  }
0x45: {  	_ =	shalt  }
0x46: {  	_ =	shalt  }
0x47: {  	_ =	shalt  }
0x48: {  	_ =	shalt  }
0x49: {  	_ =	shalt  }
0x4a: {  	_ =	shalt  }
0x4b: {  	_ =	shalt  }
0x4c: {  	_ =	shalt  }
0x4d: {  	_ =	shalt  }
0x4e: {  	_ =	shalt  }
0x4f: {  	_ =	shalt  }
0x50: {  	_ =	shalt  }
0x51: {  	_ =	shalt  }
0x52: {  	_ =	shalt  }
0x53: {  	_ =	shalt  }
0x54: {  	_ =	shalt  }
0x55: {  	_ =	shalt  }
0x56: {  	_ =	shalt  }
0x57: {  	_ =	shalt  }
0x58: {  	_ =	shalt  }
0x59: {  	_ =	shalt  }
0x5a: {  	_ =	shalt  }
0x5b: {  	_ =	shalt  }
0x5c: {  	_ =	shalt  }
0x5d: {  	_ =	shalt  }
0x5e: {  	_ =	shalt  }
0x5f: {  	_ =	shalt  }
0x60: {  	_ =	shalt  }
0x61: {  	_ =	shalt  }
0x62: {  	_ =	shalt  }
0x63: {  	_ =	shalt  }
0x64: {  	_ =	shalt  }
0x65: {  	_ =	shalt  }
0x66: {  	_ =	shalt  }
0x67: {  	_ =	shalt  }
0x68: {  	_ =	shalt  }
0x69: {  	_ =	shalt  }
0x6a: {  	_ =	shalt  }
0x6b: {  	_ =	shalt  }
0x6c: {  	_ =	shalt  }
0x6d: {  	_ =	shalt  }
0x6e: {  	_ =	shalt  }
0x6f: {  	_ =	shalt  }
0x70: {  	_ =	shalt  }
0x71: {  	_ =	shalt  }
0x72: {  	_ =	shalt  }
0x73: {  	_ =	shalt  }
0x74: {  	_ =	shalt  }
0x75: {  	_ =	shalt  }
0x76: {  	_ =	shalt  }
0x77: {  	_ =	shalt  }
0x78: {  	_ =	shalt  }
0x79: {  	_ =	shalt  }
0x7a: {  	_ =	shalt  }
0x7b: {  	_ =	shalt  }
0x7c: {  	_ =	shalt  }
0x7d: {  	_ =	shalt  }
0x7e: {  	_ =	shalt  }
0x7f: {  	_ =	shalt  }
0x80: {  	_ =	shalt  }
0x81: {  	_ =	shalt  }
0x82: {  	_ =	shalt  }
0x83: {  	_ =	shalt  }
0x84: {  	_ =	shalt  }
0x85: {  	_ =	shalt  }
0x86: {  	_ =	shalt  }
0x87: {  	_ =	shalt  }
.Lfunc_end0:
.L_simem_size_0:
called_computation.1_lowered:
.L_overlay_start_0:
0x88: {  	s2 =	sld [smem:$0x3FD9]  }
0x89: {  	s3 =	sld [smem:$0x3FFE];
	_ =	sdelay $0x1  }
0x8a: {  	s1 =	srdreg.scid  }
0x8b: {  	s0 =	sand.u32 $0x1, s1  }
0x8c: {  	s17 =	sshll.u32 s0, $0xA;
	s2 =	sadd.s32 s3, s2  }
0x8d: {  	s2 =	sadd.s32 s2, s17  }
0x8e: {  	[smem:$0x3FC6] =	sst s2  }
0x8f: {  	_ = 	snop  }
0x90: {  	s2 =	sld [smem:$0x3FC9]  }
0x91: {  	s18 =	sld [smem:$0x3FD0];
	(tm) =	ssettm $0x1  }
0x92: {  	s4 =	sld [smem:$0x3FFB];
	_ =	sdelay $0x3  }
0x93: {  	_ =	strace s4  }
0x94: {  	s4 =	sld [smem:$0x3FFC];
	_ =	sdelay $0x3  }
0x95: {  	_ =	strace s4  }
0x96: {  	s4 =	sld [smem:$0x3FFD];
	_ =	sdelay $0x3  }
0x97: {  	_ =	strace s4  }
0x98: {  	_ =	strace $0x8FFFFFFF  }
0x99: {  	s19 =	sld [smem:$0x3FDB];
	_ =	sdelay $0x1  }
0x9a: {  	s5 =	simm.s32 $_scs_section_size  }
0x9b: {  	s6 =	simm.s32 $_size__tile_overlayer_lowered;
	s7 =	simm.s32 $_tile_overlayer_lowered  }
0x9c: {  	s22 =	simm.s32 $0x1BFF;
	s21 =	sshll.u32 s7, $0x1;
	s4 =	sadd.s32 s5, s19  }
0x9d: {  	s8 =	simm.s32 $0x0;
	s20 =	sshll.u32 s6, $0x1;
	s6 =	sadd.s32 s21, s4  }
0x9e: {  	[timem:s8], [sflag:s22] =	dma.local [hbm:s6], s20  }
0x9f: {  	_ =	swait.ge [sflag:s22], s20  }
0xa0: {  	s5 =	ssub.s32 $0x0, s20;
	[sflag:s22] =	ssyncset.done $0x0  }
0xa1: {  	[sflag:s22] =	ssyncadd.s32 s5;
	_ =	sdelay $0x1  }
0xa2: {  	s23 =	simm.s32 $0x1B8B  }
0xa3: {  	_ =	swait.ge [sflag:s23], $0x1  }
0xa4: {  	[sflag:s23] =	ssyncset.done $0x0  }
0xa5: {  	s25 =	simm.s32 $0x1B8E;
	s24 =	sld [smem:$0x3FFE];
	[sflag:s23] =	ssyncadd.s32 $0xFFFFFFFF  }
0xa6: {  	s26 =	simm.s32 $execute0_lowered;
	[smem:$0x3FD2] =	sst s25  }
0xa7: {  	s6 =	sshll.u32 s26, $0x1;
	_ =	strace $0x80000046;
	[dreg:$0x1] =	wrdreg $0xFFFFFFFF  }
0xa8: {  	s28 =	simm.s32 $_size_execute0_lowered;
	s4 =	sadd.s32 s4, s6;
	[dreg:$0x0] =	wrdreg $0x0  }
0xa9: {  	s6 =	sshll.u32 s28, $0x1;
	[dreg:$0x2] =	wrdreg s4  }
0xaa: {  	[dreg:$0x3] =	wrdreg s6  }
0xab: {  	[dreg:$0x4] =	wrdreg $0xC0  }
0xac: {  	_ =	task [dreg:s8], $0x5FFFF  }
0xad: {  	[dreg:$0x1] =	wrdreg $0xFFFFFFFF  }
0xae: {  	[dreg:$0x0] =	wrdreg $0x60  }
0xaf: {  	[dreg:$0x2] =	wrdreg s2  }
0xb0: {  	[dreg:$0x3] =	wrdreg s24  }
0xb1: {  	[dreg:$0x4] =	wrdreg s18  }
0xb2: {  	[dreg:$0x5] =	wrdreg $0x9  }
0xb3: {  	_ =	task.clear_ibuf [dreg:s8], $0x6FFFF;
	_ =	strace $0x90000046  }
0xb4: {  	s29 =	simm.s32 $0x9;
	_ =	strace $0x80000048  }
0xb5: {  	_ =	swait.ge [sflag:s29], $0x1  }
0xb6: {  	[sflag:s29] =	ssyncadd.s32 $0xFFFFFFFF  }
0xb7: {  	_ =	strace $0x90000048  }
0xb8: {  	_ =	sfence  }
0xb9: {  	s30 =	sld [smem:$0x0];
	_ =	sdelay $0x2  }
0xba: {  	s31 =	sshll.u32 s1, $0xD;
	s1 =	sshrl.u32 s1, $0x2  }
0xbb: {  	s3 =	sand.u32 $0x4000, s31;
	s1 =	sadd.s32 s1, s30  }
0xbc: {  	s0 =	sor.u32 s3, s0;
	s1 =	sshll.u32 s1, $0x11  }
0xbd: {  	s0 =	sor.u32 s1, s0  }
0xbe: {  	s0 =	sadd.s32 $0x8F2B, s0  }
0xbf: {  	[sflag:s0] =	ssyncadd.remote.s32 $0x1  }
0xc0: {  	_ =	sfence.sel $0xFFFF  }
0xc1: {  	[dreg:$0x0] =	wrdreg $0xFFFFFFFF;
	(pc) =	sbr.abs _section_cstart, $3  }
0xc2: {  	[dreg:$0x1] =	wrdreg $0xFFFFFFFF  }
0xc3: {  	_ =	task.clear_ibuf [dreg:s8], $0x2FFFF;
	_ =	strace $0x9FFFFFFF  }
0xc4: {  	(tm) =	ssettm $0x7FFFFFFF  }
0xc5: {  	_ =	shalt  }
tec
execute0_lowered:
.L_overlay_start_1:
0x0: {  	(tag) =	ssettag $0x1  }
0x1: {  	s5 =	rddreg [dreg:$0x0];
	s1 =	srdreg.scid  }
0x2: {  	s0 =	stileid.u32;
	s4 =	rddreg [dreg:$0x1]  }
0x3: {  	s2 =	rddreg [dreg:$0x2];
	v0 =	vlaneseq.u32;
	s3 =	simm.s32 $0x0;
	s12 =	simm.s32 $0x100  }
0x4: {  	s13 =	simm.s32 $0xA600;
	s14 =	simm.s32 $0xC600;
	s17 =	simm.s32 $0x6400;
	v0 =	vmul.u32 $0x2, v0  }
0x5: {  	s15 =	simm.s32 $0x1;
	s6 =	sand.u32 $0x1, s1;
	s29 =	sshll.u32 s0, $0x1  }
0x6: {  	s18 =	simm.s32 $0x6500;
	s19 =	simm.s32 $0x4;
	s7 =	sor.u32 s6, s29;
	v1 =	vor.u32 $0x20, v0  }
0x7: {  	s21 =	simm.s32 $0x6580;
	[smem:$0x7FF] =	sst s3;
	s10 =	smul.u32 $0xC800, s7;
	v4 =	vor.u32 $0x40, v0;
	v6 =	vor.u32 $0x60, v0;
	v7 =	vor.u32 $0x80, v0  }
0x8: {  	s1 =	rddreg [dreg:$0x3];
	s4 =	sadd.s32 $0xF42C00, s4;
	s11 =	smul.u32 $0x19000, s0;
	v10 =	vor.u32 $0xA0, v0;
	v12 =	vor.u32 $0xC0, v0;
	v13 =	vor.u32 $0xE0, v0  }
0x9: {  	_ =	strace $0x80000047;
	s30 =	ssub.s32 $0x2, s6;
	[dreg:$0x4] =	wrdreg s17;
	v2 =	vor.u32 s10, v0;
	v3 =	vor.u32 s10, v1;
	v5 =	vor.u32 s10, v4  }
0xa: {  	s31 =	smul.u32 $0xC800, s6;
	[dreg:$0x5] =	wrdreg s18;
	v8 =	vor.u32 s10, v6;
	v9 =	vor.u32 s10, v7;
	s16 =	sor.u32 $0x100, s10;
	v11 =	vor.u32 s10, v10  }
0xb: {  	s17 =	simm.s32 $0x3;
	s18 =	simm.s32 $0x7;
	[dreg:$0x6] =	wrdreg s21;
	v14 =	vor.u32 s10, v12;
	v15 =	vor.u32 s10, v13;
	v16 =	vor.u32 s16, v0  }
0xc: {  	s21 =	simm.s32 $0x0;
	s8 =	smul.u32 $0x6400, s7;
	s9 =	sshrl.u32 s30, $0x1;
	v17 =	vor.u32 s16, v1;
	v18 =	vor.u32 s16, v4;
	v19 =	vor.u32 s16, v6  }
0xd: {  	s7 =	ssub.s32 s30, s9;
	s9 =	simm.s32 $0x80;
	s20 =	sor.u32 $0x200, s10;
	v20 =	vor.u32 s16, v7;
	v21 =	vor.u32 s16, v10;
	v22 =	vor.u32 s16, v12  }
0xe: {  	s8 =	sshrl.u32 s8, $0x3;
	s6 =	smax.u32 s7, $0x1;
	s7 =	sadd.s32 s31, s11;
	v23 =	vor.u32 s16, v13;
	v24 =	vor.u32 s20, v0;
	v25 =	vor.u32 s20, v1  }
0xf: {  	s10 =	simm.s32 $0x6600;
	s11 =	simm.s32 $0x8600;
	s5 =	sadd.s32 s5, s8;
	v26 =	vor.u32 s20, v4;
	v27 =	vor.u32 s20, v6;
	v28 =	vor.u32 s20, v7  }
0x10: {  	s8 =	simm.s32 $0x9;
	s16 =	simm.s32 $0x5;
	v29 =	vor.u32 s20, v10;
	v30 =	vor.u32 s20, v12;
	v31 =	vor.u32 s20, v13;
	s20 =	simm.s32 $0x8  }
.LBB2_1:
0x11: {  	[tilespmem:s3], [sflag:$0x9] =	stream.linear.gather [hbm4b:s5+s3], $0x6400, $0x38;
	[tilespmem:$0xE600] =	vst v63  }
0x12: {  	_ =	swait.ge [sflag:s8], $0x6400  }
0x13: {  	[sflag:s8] =	ssyncset.done $0x0  }
0x14: {  	[sflag:s8] =	ssyncadd.s32 $0xFFFF9C00  }
0x15: {  	[tilespmem:$0x6400] =	vst v2  }
0x16: {  	[tilespmem:$0x6410] =	vst v3  }
0x17: {  	[tilespmem:$0x6420] =	vst v5  }
0x18: {  	[tilespmem:$0x6430] =	vst v8  }
0x19: {  	[tilespmem:$0x6440] =	vst v9  }
0x1a: {  	[tilespmem:$0x6450] =	vst v11  }
0x1b: {  	[tilespmem:$0x6460] =	vst v14  }
0x1c: {  	[tilespmem:$0x6470] =	vst v15  }
0x1d: {  	[tilespmem:s10], [sflag:$0x1] =	stream.indirect.gather [hbm4b:s4+s9], $0x40, s3, s9, $0xb8;
	[tilespmem:$0xE600] =	vst v63  }
0x1e: {  	[tilespmem:$0x6480] =	vst v16  }
0x1f: {  	[tilespmem:$0x6490] =	vst v17  }
0x20: {  	[tilespmem:$0x64A0] =	vst v18  }
0x21: {  	[tilespmem:$0x64B0] =	vst v19  }
0x22: {  	[tilespmem:$0x64C0] =	vst v20  }
0x23: {  	[tilespmem:$0x64D0] =	vst v21  }
0x24: {  	[tilespmem:$0x64E0] =	vst v22  }
0x25: {  	[tilespmem:$0x64F0] =	vst v23  }
0x26: {  	[tilespmem:s11], [sflag:$0x2] =	stream.indirect.gather [hbm4b:s4+s9], $0x40, s9, s9, $0xb8;
	[tilespmem:$0xE600] =	vst v63  }
0x27: {  	[tilespmem:$0x6500] =	vst v24  }
0x28: {  	[tilespmem:$0x6510] =	vst v25  }
0x29: {  	[tilespmem:$0x6520] =	vst v26  }
0x2a: {  	[tilespmem:$0x6530] =	vst v27  }
0x2b: {  	[tilespmem:$0x6540] =	vst v28  }
0x2c: {  	[tilespmem:$0x6550] =	vst v29  }
0x2d: {  	p0 =	por $0x1, $0x1;
	[tilespmem:$0x6560] =	vst v30  }
0x2e: {  	s22 =	simm.s32 @!p0 $0x8;
	[tilespmem:$0x6570] =	vst v31  }
0x2f: {  	[tilespmem:s13], [sflag:$0x3] =	stream.indirect.gather [hbm4b:s4+s9], $0x40, s12, s9, $0xb8;
	[tilespmem:$0xE600] =	vst v63  }
0x30: {  	_ =	swait.ge @!p0 [sflag:s22], $0x2000  }
0x31: {  	s23 =	sadd.s32 $0x300, s7;
	[sflag:s22] =	ssyncset.done @!p0 $0x0  }
0x32: {  	v32 =	vor.u32 s23, v13;
	[sflag:s22] =	ssyncadd.s32 @!p0 $0xFFFFE000  }
0x33: {  	v33 =	vor.u32 s23, v12;
	[tilespmem:$0x65F0] =	vst v32  }
0x34: {  	v58 =	vor.u32 s23, v10;
	[tilespmem:$0x65E0] =	vst v33  }
0x35: {  	v59 =	vor.u32 s23, v7;
	[tilespmem:$0x65D0] =	vst v58  }
0x36: {  	v60 =	vor.u32 s23, v6;
	[tilespmem:$0x65C0] =	vst v59  }
0x37: {  	v61 =	vor.u32 s23, v4;
	[tilespmem:$0x65B0] =	vst v60  }
0x38: {  	v62 =	vor.u32 s23, v0;
	[tilespmem:$0x65A0] =	vst v61  }
0x39: {  	v63 =	vor.u32 s23, v1;
	[tilespmem:$0x6580] =	vst v62  }
0x3a: {  	s30 =	simm.s32 $0x180;
	[tilespmem:$0x6590] =	vst v63  }
0x3b: {  	[tilespmem:s14], [sflag:$0x4] =	stream.indirect.gather [hbm4b:s4+s9], $0x40, s30, s9, $0xb8;
	[tilespmem:$0xE600] =	vst v63  }
0x3c: {  	_ =	swait.ge [sflag:s15], $0x2000  }
0x3d: {  	[sflag:s15] =	ssyncset.done $0x0  }
0x3e: {  	s31 =	rddreg [dreg:$0x4];
	[sflag:s15] =	ssyncadd.s32 $0xFFFFE000  }
0x3f: {  	[hbm4b:s2+s9] =	stream.indirect.scatter [tilespmem:s10], [sflag:$0x5], $0x40, s31, s9, $0xb8;
	[tilespmem:$0xE600] =	vst v63  }
0x40: {  	_ =	swait.ge [sflag:s16], $0x2000  }
0x41: {  	p0 =	por $0x0, $0x0;
	[sflag:s16] =	ssyncset.done $0x0  }
0x42: {  	s22 =	simm.s32 @p0 $0x2;
	[sflag:s16] =	ssyncadd.s32 $0xFFFFE000  }
0x43: {  	_ =	swait.ge @p0 [sflag:s22], $0x2000  }
0x44: {  	s23 =	simm.s32 @p0 $0x8600;
	s24 =	simm.s32 @p0 $0x6;
	[sflag:s22] =	ssyncset.done @p0 $0x0  }
0x45: {  	s25 =	simm.s32 @p0 $0x6480;
	[sflag:s22] =	ssyncadd.s32 @p0 $0xFFFFE000;
	s22 =	simm.s32 @p0 $0x80  }
0x46: {  	v32 =	vlaneseq.u32 @!p0;
	[hbm4b:s2+s22] =	stream.indirect.scatter @p0 [tilespmem:s23], [sflag:$0x6], $0x40, s25, s22, $0xb8;
	[tilespmem:$0xE600] =	vst v63  }
0x47: {  	v33 =	vmul.u32 @!p0 $0x2, v32;
	_ =	swait.ge @p0 [sflag:s24], $0x2000  }
0x48: {  	s22 =	sadd.s32 @!p0 $0x400, s7;
	[sflag:s24] =	ssyncset.done @p0 $0x0  }
0x49: {  	v34 =	vor.u32 @!p0 $0x20, v33;
	v32 =	vor.u32 @!p0 s22, v33;
	[sflag:s24] =	ssyncadd.s32 @p0 $0xFFFFE000  }
0x4a: {  	v48 =	vor.u32 @!p0 $0xE0, v33;
	v36 =	vor.u32 @!p0 s22, v34;
	[tilespmem:$0x6400] =	vst @!p0 v32  }
0x4b: {  	v35 =	vor.u32 @!p0 $0xA0, v33;
	v37 =	vor.u32 @!p0 s22, v48;
	[tilespmem:$0x6410] =	vst @!p0 v36  }
0x4c: {  	v39 =	vor.u32 @!p0 $0x60, v33;
	v32 =	vor.u32 @!p0 s22, v35;
	[tilespmem:$0x6470] =	vst @!p0 v37  }
0x4d: {  	v38 =	vor.u32 @!p0 $0x80, v33;
	v36 =	vor.u32 @!p0 s22, v39;
	[tilespmem:$0x6450] =	vst @!p0 v32  }
0x4e: {  	v47 =	vor.u32 @!p0 $0xC0, v33;
	v32 =	vor.u32 @!p0 s22, v38;
	[tilespmem:$0x6430] =	vst @!p0 v36  }
0x4f: {  	v36 =	vor.u32 @!p0 s22, v47;
	[tilespmem:$0x6440] =	vst @!p0 v32;
	v32 =	vor.u32 @!p0 $0x40, v33  }
0x50: {  	s23 =	simm.s32 @!p0 $0x200;
	[tilespmem:$0x6460] =	vst @!p0 v36;
	v36 =	vor.u32 @!p0 s22, v32  }
0x51: {  	s25 =	simm.s32 @!p0 $0x80;
	s24 =	simm.s32 @!p0 $0x2;
	s22 =	simm.s32 @!p0 $0x6600;
	[tilespmem:$0x6420] =	vst @!p0 v36  }
0x52: {  	[tilespmem:s22], [sflag:$0x1] =	stream.indirect.gather @!p0 [hbm4b:s4+s25], $0x40, s23, s25, $0xb8;
	[tilespmem:$0xE600] =	vst v63  }
0x53: {  	s29 =	simm.s32 @!p0 $0x8600;
	_ =	swait.ge @!p0 [sflag:s24], $0x2000  }
0x54: {  	s26 =	sadd.s32 @!p0 $0x600, s7;
	s22 =	sadd.s32 @!p0 $0x500, s7;
	[sflag:s24] =	ssyncset.done @!p0 $0x0  }
0x55: {  	v37 =	vor.u32 @!p0 s26, v34;
	s23 =	simm.s32 @!p0 $0x6;
	[sflag:s24] =	ssyncadd.s32 @!p0 $0xFFFFE000;
	s24 =	simm.s32 @!p0 $0x6480  }
0x56: {  	v36 =	vor.u32 @!p0 s26, v33;
	v49 =	vor.u32 @!p0 s22, v48;
	v44 =	vor.u32 @!p0 s22, v34;
	[hbm4b:s2+s25] =	stream.indirect.scatter @!p0 [tilespmem:s29], [sflag:$0x6], $0x40, s24, s25, $0xb8;
	[tilespmem:$0xE600] =	vst v63  }
0x57: {  	v41 =	vor.u32 @!p0 s22, v32;
	v40 =	vor.u32 @!p0 s22, v39;
	v43 =	vor.u32 @!p0 s22, v38;
	_ =	swait.ge @!p0 [sflag:s23], $0x2000  }
0x58: {  	v45 =	vor.u32 @!p0 s22, v35;
	v42 =	vor.u32 @!p0 s22, v33;
	v46 =	vor.u32 @!p0 s22, v47;
	[sflag:s23] =	ssyncset.done @!p0 $0x0  }
0x59: {  	s28 =	simm.s32 @!p0 $0x280;
	v32 =	vor.u32 @!p0 s26, v32;
	v33 =	vor.u32 @!p0 s26, v38;
	v34 =	vor.u32 @!p0 s26, v35;
	[sflag:s23] =	ssyncadd.s32 @!p0 $0xFFFFE000  }
0x5a: {  	s22 =	simm.s32 $0x800;
	v38 =	vor.u32 @!p0 s26, v47;
	v35 =	vor.u32 @!p0 s26, v48;
	v39 =	vor.u32 @!p0 s26, v39;
	s24 =	simm.s32 @!p0 $0x300;
	s23 =	smov.u32 s7;
	[tilespmem:$0x64F0] =	vst @!p0 v49  }
.LBB2_2:
0x5b: {  	[tilespmem:$0x6490] =	vst @!p0 v44  }
0x5c: {  	[tilespmem:$0x64A0] =	vst @!p0 v41  }
0x5d: {  	[tilespmem:$0x64D0] =	vst @!p0 v45  }
0x5e: {  	[tilespmem:$0x64C0] =	vst @!p0 v43  }
0x5f: {  	[tilespmem:$0x64B0] =	vst @!p0 v40  }
0x60: {  	[tilespmem:$0x64E0] =	vst @!p0 v46  }
0x61: {  	[tilespmem:$0x6480] =	vst @!p0 v42  }
0x62: {  	[tilespmem:s29], [sflag:$0x2] =	stream.indirect.gather @!p0 [hbm4b:s4+s25], $0x40, s28, s25, $0xb8;
	[tilespmem:$0xE600] =	vst v63  }
0x63: {  	_ =	swait.ge [sflag:s17], $0x2000  }
0x64: {  	[sflag:s17] =	ssyncset.done $0x0  }
0x65: {  	s28 =	rddreg [dreg:$0x5];
	[sflag:s17] =	ssyncadd.s32 $0xFFFFE000  }
0x66: {  	[hbm4b:s2+s9] =	stream.indirect.scatter [tilespmem:s13], [sflag:$0x7], $0x40, s28, s9, $0xb8;
	[tilespmem:$0xE600] =	vst v63  }
0x67: {  	_ =	swait.ge [sflag:s18], $0x2000  }
0x68: {  	[sflag:s18] =	ssyncset.done $0x0  }
0x69: {  	[sflag:s18] =	ssyncadd.s32 $0xFFFFE000  }
0x6a: {  	[tilespmem:$0x6500] =	vst @!p0 v36  }
0x6b: {  	[tilespmem:$0x6510] =	vst @!p0 v37  }
0x6c: {  	[tilespmem:$0x6520] =	vst @!p0 v32  }
0x6d: {  	[tilespmem:$0x6540] =	vst @!p0 v33  }
0x6e: {  	[tilespmem:$0x6550] =	vst @!p0 v34  }
0x6f: {  	[tilespmem:$0x6560] =	vst @!p0 v38  }
0x70: {  	[tilespmem:$0x6570] =	vst @!p0 v35  }
0x71: {  	s28 =	simm.s32 @!p0 $0xA600;
	[tilespmem:$0x6530] =	vst @!p0 v39  }
0x72: {  	[tilespmem:s28], [sflag:$0x3] =	stream.indirect.gather @!p0 [hbm4b:s4+s25], $0x40, s24, s25, $0xb8;
	[tilespmem:$0xE600] =	vst v63  }
0x73: {  	s26 =	smov.u32 s22;
	_ =	swait.ge [sflag:s19], $0x2000  }
0x74: {  	p0 =	seq.s32 s26, $0x0;
	[sflag:s19] =	ssyncset.done $0x0  }
0x75: {  	s25 =	simm.s32 @!p0 $0x8;
	s30 =	rddreg [dreg:$0x6];
	[sflag:s19] =	ssyncadd.s32 $0xFFFFE000  }
0x76: {  	[hbm4b:s2+s9] =	stream.indirect.scatter [tilespmem:s14], [sflag:$0x8], $0x40, s30, s9, $0xb8;
	[tilespmem:$0xE600] =	vst v63  }
0x77: {  	s23 =	sadd.s32 $0x400, s23;
	_ =	swait.ge @!p0 [sflag:s25], $0x2000  }
0x78: {  	s31 =	sadd.s32 $0x300, s23;
	[sflag:s25] =	ssyncset.done @!p0 $0x0  }
0x79: {  	v56 =	vor.u32 s31, v13;
	[sflag:s25] =	ssyncadd.s32 @!p0 $0xFFFFE000  }
0x7a: {  	v57 =	vor.u32 s31, v12;
	[tilespmem:$0x65F0] =	vst v56  }
0x7b: {  	v58 =	vor.u32 s31, v10;
	[tilespmem:$0x65E0] =	vst v57  }
0x7c: {  	v59 =	vor.u32 s31, v7;
	[tilespmem:$0x65D0] =	vst v58  }
0x7d: {  	v60 =	vor.u32 s31, v6;
	[tilespmem:$0x65C0] =	vst v59  }
0x7e: {  	v61 =	vor.u32 s31, v4;
	[tilespmem:$0x65B0] =	vst v60  }
0x7f: {  	v62 =	vor.u32 s31, v0;
	[tilespmem:$0x65A0] =	vst v61  }
0x80: {  	v63 =	vor.u32 s31, v1;
	s30 =	sshra.s32 s26, $0x2;
	[tilespmem:$0x6580] =	vst v62  }
0x81: {  	s24 =	sadd.s32 $0x180, s30;
	[tilespmem:$0x6590] =	vst v63  }
0x82: {  	[tilespmem:s14], [sflag:$0x4] =	stream.indirect.gather [hbm4b:s4+s9], $0x40, s24, s9, $0xb8;
	[tilespmem:$0xE600] =	vst v63  }
0x83: {  	_ =	swait.ge [sflag:s15], $0x2000  }
0x84: {  	[sflag:s15] =	ssyncset.done $0x0  }
0x85: {  	s31 =	rddreg [dreg:$0x4];
	[sflag:s15] =	ssyncadd.s32 $0xFFFFE000  }
0x86: {  	[hbm4b:s2+s9] =	stream.indirect.scatter [tilespmem:s10], [sflag:$0x5], $0x40, s31, s9, $0xb8;
	[tilespmem:$0xE600] =	vst v63  }
0x87: {  	_ =	swait.ge [sflag:s16], $0x2000  }
0x88: {  	p0 =	seq.s32 s26, $0x18800;
	[sflag:s16] =	ssyncset.done $0x0  }
0x89: {  	s24 =	simm.s32 @p0 $0x2;
	[sflag:s16] =	ssyncadd.s32 $0xFFFFE000  }
0x8a: {  	s29 =	sadd.s32 @!p0 $0x400, s23;
	_ =	swait.ge @p0 [sflag:s24], $0x2000  }
0x8b: {  	v32 =	vlaneseq.u32 @!p0;
	s28 =	simm.s32 @p0 $0x8600;
	s30 =	simm.s32 @p0 $0x6;
	[sflag:s24] =	ssyncset.done @p0 $0x0  }
0x8c: {  	v33 =	vmul.u32 @!p0 $0x2, v32;
	s31 =	simm.s32 @p0 $0x6480;
	[sflag:s24] =	ssyncadd.s32 @p0 $0xFFFFE000;
	s24 =	simm.s32 @p0 $0x80  }
0x8d: {  	[hbm4b:s2+s24] =	stream.indirect.scatter @p0 [tilespmem:s28], [sflag:$0x6], $0x40, s31, s24, $0xb8;
	[tilespmem:$0xE600] =	vst v63  }
0x8e: {  	v32 =	vor.u32 @!p0 s29, v33;
	_ =	swait.ge @p0 [sflag:s30], $0x2000  }
0x8f: {  	v34 =	vor.u32 @!p0 $0x20, v33;
	v35 =	vor.u32 @!p0 $0xA0, v33;
	v39 =	vor.u32 @!p0 $0x60, v33;
	[sflag:s30] =	ssyncset.done @p0 $0x0  }
0x90: {  	s25 =	sshra.s32 @!p0 s26, $0x2;
	v47 =	vor.u32 @!p0 $0x80, v33;
	v48 =	vor.u32 @!p0 $0xC0, v33;
	v51 =	vor.u32 @!p0 $0xE0, v33;
	[sflag:s30] =	ssyncadd.s32 @p0 $0xFFFFE000  }
0x91: {  	s26 =	sadd.s32 @!p0 $0x200, s25;
	v52 =	vor.u32 @!p0 $0x40, v33;
	v36 =	vor.u32 @!p0 s29, v34;
	v37 =	vor.u32 @!p0 s29, v35;
	[tilespmem:$0x6400] =	vst @!p0 v32  }
0x92: {  	v38 =	vor.u32 @!p0 s29, v39;
	v49 =	vor.u32 @!p0 s29, v47;
	v50 =	vor.u32 @!p0 s29, v48;
	s28 =	sadd.s32 @!p0 $0x280, s25;
	s24 =	sadd.s32 @!p0 $0x300, s25;
	s25 =	sadd.s32 @!p0 $0x500, s23;
	[tilespmem:$0x6410] =	vst @!p0 v36  }
0x93: {  	v53 =	vor.u32 @!p0 s29, v51;
	v55 =	vor.u32 @!p0 s29, v52;
	v54 =	vor.u32 @!p0 s25, v51;
	[tilespmem:$0x6450] =	vst @!p0 v37  }
0x94: {  	v44 =	vor.u32 @!p0 s25, v34;
	v41 =	vor.u32 @!p0 s25, v52;
	v40 =	vor.u32 @!p0 s25, v39;
	[tilespmem:$0x6430] =	vst @!p0 v38  }
0x95: {  	s29 =	sadd.s32 @!p0 $0x600, s23;
	v43 =	vor.u32 @!p0 s25, v47;
	v45 =	vor.u32 @!p0 s25, v35;
	v42 =	vor.u32 @!p0 s25, v33;
	[tilespmem:$0x6440] =	vst @!p0 v49  }
0x96: {  	v46 =	vor.u32 @!p0 s25, v48;
	v39 =	vor.u32 @!p0 s29, v39;
	v32 =	vor.u32 @!p0 s29, v52;
	[tilespmem:$0x6460] =	vst @!p0 v50  }
0x97: {  	v36 =	vor.u32 @!p0 s29, v33;
	v37 =	vor.u32 @!p0 s29, v34;
	v33 =	vor.u32 @!p0 s29, v47;
	[tilespmem:$0x6470] =	vst @!p0 v53  }
0x98: {  	s25 =	simm.s32 @!p0 $0x80;
	s30 =	simm.s32 @!p0 $0x2;
	v34 =	vor.u32 @!p0 s29, v35;
	v38 =	vor.u32 @!p0 s29, v48;
	v35 =	vor.u32 @!p0 s29, v51;
	[tilespmem:$0x6420] =	vst @!p0 v55;
	s29 =	simm.s32 @!p0 $0x6600  }
0x99: {  	[tilespmem:s29], [sflag:$0x1] =	stream.indirect.gather @!p0 [hbm4b:s4+s25], $0x40, s26, s25, $0xb8;
	[tilespmem:$0xE600] =	vst v63  }
0x9a: {  	s22 =	sadd.s32 $0x800, s22;
	_ =	swait.ge @!p0 [sflag:s30], $0x2000  }
0x9b: {  	p1 =	sne.s32 s22, $0x19000;
	[sflag:s30] =	ssyncset.done @!p0 $0x0  }
0x9c: {  	s29 =	simm.s32 @!p0 $0x8600;
	[sflag:s30] =	ssyncadd.s32 @!p0 $0xFFFFE000;
	s30 =	simm.s32 @!p0 $0x6480  }
0x9d: {  	[hbm4b:s2+s25] =	stream.indirect.scatter @!p0 [tilespmem:s29], [sflag:$0x6], $0x40, s30, s25, $0xb8;
	[tilespmem:$0xE600] =	vst v63  }
.Ltmp0:
0x9e: {  	s26 =	simm.s32 @!p0 $0x6;
	(pc) =	sbr.rel @p1 .LBB2_2-.Ltmp0, $4  }
0x9f: {  	_ =	swait.ge @!p0 [sflag:s26], $0x2000  }
0xa0: {  	[sflag:s26] =	ssyncset.done @!p0 $0x0  }
0xa1: {  	[sflag:s26] =	ssyncadd.s32 @!p0 $0xFFFFE000  }
0xa2: {  	[tilespmem:$0x64F0] =	vst @!p0 v54  }
0xa3: {  	[tilespmem:$0x6490] =	vst @!p0 v44  }
0xa4: {  	[tilespmem:$0x64A0] =	vst @!p0 v41  }
0xa5: {  	[tilespmem:$0x64D0] =	vst @!p0 v45  }
0xa6: {  	[tilespmem:$0x64C0] =	vst @!p0 v43  }
0xa7: {  	[tilespmem:$0x64B0] =	vst @!p0 v40  }
0xa8: {  	[tilespmem:$0x64E0] =	vst @!p0 v46  }
0xa9: {  	[tilespmem:$0x6480] =	vst @!p0 v42  }
0xaa: {  	[tilespmem:s29], [sflag:$0x2] =	stream.indirect.gather @!p0 [hbm4b:s4+s25], $0x40, s28, s25, $0xb8;
	[tilespmem:$0xE600] =	vst v63  }
0xab: {  	_ =	swait.ge [sflag:s17], $0x2000  }
0xac: {  	[sflag:s17] =	ssyncset.done $0x0  }
0xad: {  	s22 =	rddreg [dreg:$0x5];
	[sflag:s17] =	ssyncadd.s32 $0xFFFFE000  }
0xae: {  	[hbm4b:s2+s9] =	stream.indirect.scatter [tilespmem:s13], [sflag:$0x7], $0x40, s22, s9, $0xb8;
	[tilespmem:$0xE600] =	vst v63  }
0xaf: {  	_ =	swait.ge [sflag:s18], $0x2000  }
0xb0: {  	[sflag:s18] =	ssyncset.done $0x0  }
0xb1: {  	[sflag:s18] =	ssyncadd.s32 $0xFFFFE000  }
0xb2: {  	[tilespmem:$0x6500] =	vst @!p0 v36  }
0xb3: {  	[tilespmem:$0x6510] =	vst @!p0 v37  }
0xb4: {  	[tilespmem:$0x6520] =	vst @!p0 v32  }
0xb5: {  	[tilespmem:$0x6540] =	vst @!p0 v33  }
0xb6: {  	[tilespmem:$0x6550] =	vst @!p0 v34  }
0xb7: {  	[tilespmem:$0x6560] =	vst @!p0 v38  }
0xb8: {  	[tilespmem:$0x6570] =	vst @!p0 v35  }
0xb9: {  	s22 =	simm.s32 @!p0 $0xA600;
	[tilespmem:$0x6530] =	vst @!p0 v39  }
0xba: {  	[tilespmem:s22], [sflag:$0x3] =	stream.indirect.gather @!p0 [hbm4b:s4+s25], $0x40, s24, s25, $0xb8;
	[tilespmem:$0xE600] =	vst v63  }
0xbb: {  	s21 =	sadd.s32 $0x1, s21;
	_ =	swait.ge [sflag:s19], $0x2000  }
0xbc: {  	p0 =	sne.s32 s21, s6;
	[sflag:s19] =	ssyncset.done $0x0  }
.Ltmp1:
0xbd: {  	s31 =	rddreg [dreg:$0x6];
	[sflag:s19] =	ssyncadd.s32 $0xFFFFE000;
	(pc) =	sbr.rel @p0 .LBB2_1-.Ltmp1, $4  }
0xbe: {  	[hbm4b:s2+s9] =	stream.indirect.scatter [tilespmem:s14], [sflag:$0x8], $0x40, s31, s9, $0xb8;
	[tilespmem:$0xE600] =	vst v63  }
0xbf: {  	_ =	swait.ge [sflag:s20], $0x2000  }
0xc0: {  	[sflag:s20] =	ssyncset.done $0x0  }
0xc1: {  	[sflag:s20] =	ssyncadd.s32 $0xFFFFE000  }
0xc2: {  	_ =	sfence.sel $0x180000  }
0xc3: {  	[bflag:$0x0] =	sbarrier.arrive $0xFFFF  }
0xc4: {  	p0 =	sne.s32 s0, $0x0;
	_ =	strace $0x90000047  }
0xc5: {  	s0 =	sadd.s32 @!p0 $0x100000, s1;
	[bflag:$0x2] =	sbarrier.arrive $0xFFFF  }
0xc6: {  	[sflag:s0] =	ssyncadd.tile.s32 @!p0 $0x1;
	_ =	shalt  }
.Lfunc_end2:
_tile_overlayer_lowered:
.L_overlay_start_2:
0xc7: {  	(tag) =	ssettag $0x2  }
0xc8: {  	s0 =	rddreg [dreg:$0x0];
	s2 =	stileid.u32  }
0xc9: {  	s1 =	rddreg [dreg:$0x1];
	p0 =	sne.s32 s2, $0x0  }
0xca: {  	s3 =	rddreg [dreg:$0x2];
	[bflag:$0x3] =	sbarrier.arrive $0xFFFF;
	s2 =	simm.s32 @!p0 $0x1C09  }
0xcb: {  	[timem:s3], [sflag:s2] =	dma.local @!p0 [hbm:s0], s1  }
0xcc: {  	s0 =	simm.s32 @!p0 $0x9  }
0xcd: {  	_ =	swait.ge @!p0 [sflag:s0], s1  }
0xce: {  	s1 =	ssub.s32 @!p0 $0x0, s1;
	[sflag:s0] =	ssyncset.done @!p0 $0x0  }
0xcf: {  	[sflag:s0] =	ssyncadd.s32 @!p0 s1  }
0xd0: {  	[bflag:$0x3] =	sbarrier.arrive $0xFFFF  }
0xd1: {  	_ =	shalt  }

// kernel: sparse-core-data-format-call.cloned.1.call-start
scs
called_computation_lowered:
.L_overlay_start_0:
0x0: {  	s2 =	sld [smem:$0x3FD9]  }
0x1: {  	s3 =	sld [smem:$0x3FFE];
	_ =	sdelay $0x1  }
0x2: {  	s1 =	srdreg.scid  }
0x3: {  	s0 =	sand.u32 $0x1, s1  }
0x4: {  	s18 =	sshll.u32 s0, $0xA;
	s2 =	sadd.s32 s3, s2  }
0x5: {  	s2 =	sadd.s32 s2, s18  }
0x6: {  	[smem:$0x3FC6] =	sst s2  }
0x7: {  	_ = 	snop  }
0x8: {  	s2 =	sld [smem:$0x3FD0];
	(tm) =	ssettm $0x1  }
0x9: {  	s19 =	sld [smem:$0x3FFB];
	_ =	sdelay $0x3  }
0xa: {  	_ =	strace s19  }
0xb: {  	s3 =	sld [smem:$0x3FFC];
	_ =	sdelay $0x3  }
0xc: {  	_ =	strace s3  }
0xd: {  	s3 =	sld [smem:$0x3FFD];
	_ =	sdelay $0x3  }
0xe: {  	_ =	strace s3  }
0xf: {  	_ =	strace $0x8FFFFFFF  }
0x10: {  	s20 =	sld [smem:$0x3FDB];
	_ =	sdelay $0x1  }
0x11: {  	s4 =	simm.s32 $_scs_section_size  }
0x12: {  	s5 =	simm.s32 $_size__tile_overlayer_lowered;
	s6 =	simm.s32 $_tile_overlayer_lowered  }
0x13: {  	s23 =	simm.s32 $0x1BFF;
	s22 =	sshll.u32 s6, $0x1;
	s3 =	sadd.s32 s4, s20  }
0x14: {  	s7 =	simm.s32 $0x0;
	s21 =	sshll.u32 s5, $0x1;
	s5 =	sadd.s32 s22, s3  }
0x15: {  	[timem:s7], [sflag:s23] =	dma.local [hbm:s5], s21  }
0x16: {  	_ =	swait.ge [sflag:s23], s21  }
0x17: {  	s4 =	ssub.s32 $0x0, s21;
	[sflag:s23] =	ssyncset.done $0x0  }
0x18: {  	[sflag:s23] =	ssyncadd.s32 s4;
	_ =	sdelay $0x1  }
0x19: {  	s24 =	simm.s32 $0x1B8B  }
0x1a: {  	_ =	swait.ge [sflag:s24], $0x1  }
0x1b: {  	[sflag:s24] =	ssyncset.done $0x0  }
0x1c: {  	s26 =	simm.s32 $0x1B8E;
	s25 =	sld [smem:$0x3FFE];
	[sflag:s24] =	ssyncadd.s32 $0xFFFFFFFF  }
0x1d: {  	s27 =	simm.s32 $execute0_lowered;
	[smem:$0x3FD2] =	sst s26  }
0x1e: {  	s5 =	sshll.u32 s27, $0x1;
	_ =	strace $0x80000049;
	[dreg:$0x1] =	wrdreg $0xFFFFFFFF  }
0x1f: {  	s28 =	simm.s32 $_size_execute0_lowered;
	s3 =	sadd.s32 s3, s5;
	[dreg:$0x0] =	wrdreg $0x0  }
0x20: {  	s5 =	sshll.u32 s28, $0x1;
	[dreg:$0x2] =	wrdreg s3  }
0x21: {  	[dreg:$0x3] =	wrdreg s5  }
0x22: {  	[dreg:$0x4] =	wrdreg $0xC0  }
0x23: {  	_ =	task [dreg:s7], $0x5FFFF  }
0x24: {  	[dreg:$0x1] =	wrdreg $0xFFFFFFFF  }
0x25: {  	[dreg:$0x0] =	wrdreg $0x60  }
0x26: {  	[dreg:$0x2] =	wrdreg s25  }
0x27: {  	[dreg:$0x3] =	wrdreg s2  }
0x28: {  	[dreg:$0x4] =	wrdreg $0x9  }
0x29: {  	_ =	task.clear_ibuf [dreg:s7], $0x5FFFF;
	_ =	strace $0x90000049  }
0x2a: {  	s29 =	simm.s32 $0x9;
	_ =	strace $0x8000004B  }
0x2b: {  	_ =	swait.ge [sflag:s29], $0x1  }
0x2c: {  	[sflag:s29] =	ssyncadd.s32 $0xFFFFFFFF  }
0x2d: {  	_ =	strace $0x9000004B  }
0x2e: {  	_ =	sfence  }
0x2f: {  	s30 =	sld [smem:$0x0];
	_ =	sdelay $0x2  }
0x30: {  	s31 =	sshll.u32 s1, $0xD;
	s1 =	sshrl.u32 s1, $0x2  }
0x31: {  	s3 =	sand.u32 $0x4000, s31;
	s1 =	sadd.s32 s1, s30  }
0x32: {  	s0 =	sor.u32 s3, s0;
	s1 =	sshll.u32 s1, $0x11  }
0x33: {  	s0 =	sor.u32 s1, s0  }
0x34: {  	s0 =	sadd.s32 $0x8F2B, s0  }
0x35: {  	[sflag:s0] =	ssyncadd.remote.s32 $0x1  }
0x36: {  	_ =	sfence.sel $0xFFFF  }
0x37: {  	[dreg:$0x0] =	wrdreg $0xFFFFFFFF;
	(pc) =	sbr.abs _section_cstart, $3  }
0x38: {  	[dreg:$0x1] =	wrdreg $0xFFFFFFFF  }
0x39: {  	_ =	task.clear_ibuf [dreg:s7], $0x2FFFF;
	_ =	strace $0x9FFFFFFF  }
0x3a: {  	(tm) =	ssettm $0x7FFFFFFF  }
0x3b: {  	_ =	shalt  }
tec
execute0_lowered:
.L_overlay_start_1:
0x0: {  	(tag) =	ssettag $0x1  }
0x1: {  	s0 =	srdreg.scid  }
0x2: {  	s1 =	sshll.u32 s0, $0x4  }
0x3: {  	s4 =	rddreg [dreg:$0x0];
	s0 =	stileid.u32;
	s1 =	sand.u32 $0x10, s1  }
0x4: {  	s2 =	rddreg [dreg:$0x1];
	s7 =	simm.s32 $0x1;
	s1 =	sor.u32 s0, s1  }
0x5: {  	s8 =	simm.s32 $0x2;
	s11 =	simm.s32 $0x0;
	s3 =	sshll.u32 s1, $0x7  }
0x6: {  	s10 =	simm.s32 $0x0;
	s4 =	sadd.s32 $0x800, s4;
	s6 =	ssub.s32 $0x190000, s3  }
.Ltmp0:
0x7: {  	s1 =	rddreg [dreg:$0x2];
	s5 =	sand.u32 $0xF80, s6;
	(pc) =	sbr.rel .LBB1_1-.Ltmp0, $4  }
0x8: {  	_ =	strace $0x8000004A;
	s9 =	smov.u32 s3;
	p0 =	sne.s32 s5, $0x0  }
0x9: {  	s6 =	sshrl.u32 s6, $0xC;
	s5 =	simm.s32 $0x1;
	s7 =	simm.s32 @!p0 $0x0  }
0xa: {  	[sflag:s5] =	ssyncpa.u1 $0x0;
	p0 =	por $0x0, $0x0;
	s6 =	sadd.s32 s7, s6  }
0xb: {  	[sflag:s8] =	ssyncpa.u1 $0x0;
	s8 =	simm.s32 $0xC80000;
	s7 =	sadd.s32 $0x1, s6  }
.LBB1_4:
0xc: {  	s14 =	sshll.u32 s11, $0x3  }
0xd: {  	s30 =	sand.u32 $0x7F, s11;
	s15 =	sand.u32 $0xFFFFFC00, s14  }
0xe: {  	s11 =	sor.u32 s30, s15  }
0xf: {  	s15 =	smulhi.u32 $0x51EB851F, s11  }
0x10: {  	s14 =	smulhi.u32 $0x51EB851F, s14  }
0x11: {  	s15 =	sshrl.u32 s15, $0x13  }
0x12: {  	s14 =	sshrl.u32 s14, $0x13;
	s15 =	smul.u32 $0x190000, s15  }
0x13: {  	s14 =	sand.u32 $0x3F, s14  }
0x14: {  	s14 =	smul.u32 $0x32000, s14;
	s11 =	ssub.s32 s11, s15  }
0x15: {  	[tilespmem:s13+$0x810 ss:$0x81] =	vst.msk $0xffff, v2;
	s15 =	sand.u32 $0x7, s11  }
0x16: {  	[tilespmem:s13+$0x1020 ss:$0x81] =	vst.msk $0xffff, v0;
	s14 =	sadd.s32 s2, s14;
	s11 =	sshrl.u32 s11, $0x3;
	s15 =	sshll.u32 s15, $0x12  }
0x17: {  	[tilespmem:s13+$0x0 ss:$0x81] =	vst.msk $0xffff, v1;
	s11 =	sadd.s32 s11, s14;
	s31 =	sor.u32 $0x400, s15  }
0x18: {  	[hbm4b:s11+s31] =	stream.strided.scatter [tilespmem:s12], [sflag:$0x2], $0x2000, s8, s31, $0x20;
	[tilespmem:$0x8080] =	vst v63  }
.LBB1_5:
0x19: {  	s13 =	sadd.s32 $0x1000, s9  }
0x1a: {  	p2 =	sgt.s32 s13, $0x18FFFF  }
0x1b: {  	s13 =	smov.u32 @p2 s3;
	p2 =	sne.s32 s10, s7  }
.Ltmp1:
0x1c: {  	p1 =	slt.u32 s10, $0x2;
	(pc) =	sbr.rel @!p2 .LBB1_6-.Ltmp1, $4  }
0x1d: {  	s12 =	simm.s32 @!p1 $0x2  }
0x1e: {  	s14 =	sadd.s32 $0x1, s10;
	_ =	swait.ge @!p1 [sflag:s12], $0x2000  }
0x1f: {  	s11 =	smov.u32 s9;
	p0 =	por !p0, !p0;
	[sflag:s12] =	ssyncset.done @!p1 $0x0  }
0x20: {  	s10 =	smov.u32 s14;
	s9 =	smov.u32 s13;
	[sflag:s12] =	ssyncadd.s32 @!p1 $0xFFFFE000  }
.LBB1_1:
0x21: {  	p1 =	sge.u32 s10, s6  }
0x22: {  	s12 =	sand.u32 @!p1 $0x1FFFFFF, s9  }
0x23: {  	s13 =	smulhi.u32 @!p1 $0x147AE15, s12;
	_ =	sdelay $0x1  }
0x24: {  	s13 =	sshrl.u32 @!p1 s13, $0xD  }
0x25: {  	s13 =	smul.u32 @!p1 $0x190000, s13;
	_ =	sdelay $0x1  }
0x26: {  	s31 =	sadd.s32 $0xFFFFFFFF, s10;
	s14 =	sxor.u32 @!p1 $0xFFFFFFFF, s10;
	s12 =	ssub.s32 @!p1 s12, s13  }
0x27: {  	s15 =	simm.s32 @!p1 $0x80;
	s14 =	sshll.u32 @!p1 s14, $0xD;
	s12 =	sshll.u32 @!p1 s12, $0x4  }
0x28: {  	s13 =	sand.u32 @!p1 $0x2000, s14;
	s14 =	simm.s32 @!p1 $0x40;
	s12 =	sadd.s32 @!p1 s4, s12  }
0x29: {  	[tilespmem:s13], [sflag:$0x1] =	stream.strided.gather @!p1 [hbm4b:s12+s14], $0x2000, s15, s14, $0x38;
	[tilespmem:$0x8080] =	vst v63  }
0x2a: {  	p1 =	sge.u32 s31, s6  }
.Ltmp2:
0x2b: {  	_ = 	snop;
	(pc) =	sbr.rel @p1 .LBB1_5-.Ltmp2, $1  }
0x2c: {  	_ =	sdelay $0x3  }
0x2d: {  	s12 =	simm.s32 $0x1  }
0x2e: {  	_ =	swait.ge [sflag:s5], $0x2000;
	s12 =	simm.s32 @!p0 $0x0  }
0x2f: {  	[sflag:s5] =	ssyncset.done $0x0;
	s13 =	sshll.u32 s12, $0xD  }
0x30: {  	[sflag:s5] =	ssyncadd.s32 $0xFFFFE000;
	s16 =	sor.u32 $0x20, s13  }
0x31: {  	s12 =	smul.u32 $0x8100, s12;
	v3 =	vld [tilespmem:s16+$0x10]  }
0x32: {  	s30 =	sand.u32 $0x1, s10;
	v2 =	vld [tilespmem:s16+$0xFFFFFFF0]  }
0x33: {  	s13 =	smul.u32 $0x8100, s30;
	s12 =	sshrl.u32 s12, $0x2;
	v0 =	vld [tilespmem:s16+$0x0]  }
0x34: {  	v1 =	vld [tilespmem:s16+$0xFFFFFFE0];
	s14 =	sor.u32 $0x4000, s12  }
0x35: {  	s31 =	sshrl.u32 s13, $0x2;
	s13 =	sadd.s32 $0x0, s14  }
0x36: {  	s15 =	simm.s32 $0x4;
	s16 =	sadd.s32 $0x40, s16;
	s12 =	sor.u32 $0x4000, s31;
	[tilespmem:s13+$0x1830 ss:$0x81] =	vst.msk $0xffff, v3  }
.LBB1_3:
0x37: {  	v3 =	vld [tilespmem:s16+$0x10];
	p1 =	sne.s32 s15, $0x1FC;
	[tilespmem:s13+$0x810 ss:$0x81] =	vst.msk $0xffff, v2;
	s17 =	smov.u32 s15;
	s15 =	sadd.s32 $0x4, s15  }
.Ltmp3:
0x38: {  	v2 =	vld [tilespmem:s16+$0xFFFFFFF0];
	[tilespmem:s13+$0x1020 ss:$0x81] =	vst.msk $0xffff, v0;
	(pc) =	sbr.rel @p1 .LBB1_3-.Ltmp3, $4  }
0x39: {  	v0 =	vld [tilespmem:s16+$0x0];
	[tilespmem:s13+$0x0 ss:$0x81] =	vst.msk $0xffff, v1  }
0x3a: {  	s13 =	sshra.s32 s17, $0x2;
	v1 =	vld [tilespmem:s16+$0xFFFFFFE0]  }
0x3b: {  	s13 =	sadd.s32 s13, s14  }
0x3c: {  	s16 =	sadd.s32 $0x40, s16;
	[tilespmem:s13+$0x1830 ss:$0x81] =	vst.msk $0xffff, v3  }
.Ltmp4:
0x3d: {  	_ = 	snop;
	(pc) =	sbr.rel .LBB1_4-.Ltmp4, $1  }
0x3e: {  	_ =	sdelay $0x3  }
.LBB1_6:
0x3f: {  	_ =	sfence.sel $0x180000  }
0x40: {  	s2 =	simm.s32 $0x1;
	[bflag:$0x0] =	sbarrier.arrive $0xFFFF  }
0x41: {  	s31 =	simm.s32 $0x2;
	[sflag:s2] =	ssyncpa.u1 $0x1  }
0x42: {  	[sflag:s31] =	ssyncpa.u1 $0x1  }
0x43: {  	p0 =	sne.s32 s0, $0x0;
	_ =	strace $0x9000004A  }
0x44: {  	s0 =	sadd.s32 @!p0 $0x100000, s1;
	[bflag:$0x2] =	sbarrier.arrive $0xFFFF  }
0x45: {  	[sflag:s0] =	ssyncadd.tile.s32 @!p0 $0x1;
	_ =	shalt  }
.Lfunc_end1:
_tile_overlayer_lowered:
.L_overlay_start_2:
0x46: {  	(tag) =	ssettag $0x2  }
0x47: {  	s0 =	rddreg [dreg:$0x0];
	s2 =	stileid.u32  }
0x48: {  	s1 =	rddreg [dreg:$0x1];
	p0 =	sne.s32 s2, $0x0  }
0x49: {  	s3 =	rddreg [dreg:$0x2];
	[bflag:$0x3] =	sbarrier.arrive $0xFFFF;
	s2 =	simm.s32 @!p0 $0x1C01  }
0x4a: {  	[timem:s3], [sflag:s2] =	dma.local @!p0 [hbm:s0], s1  }
0x4b: {  	s0 =	simm.s32 @!p0 $0x1  }
0x4c: {  	_ =	swait.ge @!p0 [sflag:s0], s1  }
0x4d: {  	s1 =	ssub.s32 @!p0 $0x0, s1;
	[sflag:s0] =	ssyncset.done @!p0 $0x0  }
0x4e: {  	[sflag:s0] =	ssyncadd.s32 @!p0 s1  }
0x4f: {  	[bflag:$0x3] =	sbarrier.arrive $0xFFFF  }
0x50: {  	_ =	shalt  }

</sc_bundles>
